<compile_context>
chip_gen: v7x
topology: tpu7x:2x2x1
jax: 0.10.2.dev20260603
libtpu: 0.0.44.dev20260713+nightly
codegen_flags: <defaults>
</compile_context>

<pallas_src>
import functools

import jax
import jax.numpy as jnp
from jax import lax
from jax.experimental import pallas as pl
from jax.experimental.pallas import tpu as pltpu
from jax.experimental.pallas import tpu_sc as plsc

N = 10000
E = 320000
D = 128
NC = 2
NS = 16
NW = NC * NS
EPW = E // NW
K = 200
NCHUNK = EPW // K
NPAD = 10240
RPT = NPAD // NS

_mesh = plsc.VectorSubcoreMesh(core_axis_name="c", subcore_axis_name="s")


@functools.partial(
    pl.kernel,
    out_type=jax.ShapeDtypeStruct((NC, NPAD), jnp.float32),
    mesh=_mesh,
    scratch_types=[
        pltpu.VMEM((K,), jnp.int32),
        pltpu.VMEM((K,), jnp.float32),
        pltpu.VMEM((RPT,), jnp.float32),
        pltpu.VMEM_SHARED((NPAD,), jnp.float32),
    ],
)
def _deg_kernel(dst_hbm, out_hbm, dbuf, ones, zbuf, deg_sh):
    c = lax.axis_index("c")
    s = lax.axis_index("s")
    wid = s * NC + c
    base = wid * EPW

    def _init(i, _):
        ones[pl.ds(i * 16, 16)] = jnp.ones((16,), jnp.float32)
        return 0

    lax.fori_loop(0, K // 16, _init, 0)

    def _zero(i, _):
        zbuf[pl.ds(i * 16, 16)] = jnp.zeros((16,), jnp.float32)
        return 0

    lax.fori_loop(0, RPT // 16, _zero, 0)
    pltpu.sync_copy(zbuf, deg_sh.at[pl.ds(s * RPT, RPT)])
    plsc.subcore_barrier()

    def _step(i, _):
        pltpu.sync_copy(dst_hbm.at[pl.ds(base + i * K, K)], dbuf)
        pltpu.sync_copy(ones, deg_sh.at[dbuf], add=True)
        return 0

    lax.fori_loop(0, NCHUNK, _step, 0)
    plsc.subcore_barrier()
    pltpu.sync_copy(deg_sh.at[pl.ds(s * RPT, RPT)],
                    out_hbm.at[c, pl.ds(s * RPT, RPT)])


@functools.partial(
    pl.kernel,
    out_type=jax.ShapeDtypeStruct((NC, NPAD, D), jnp.float32),
    mesh=_mesh,
    scratch_types=[
        pltpu.VMEM((K,), jnp.int32),
        pltpu.VMEM((K,), jnp.int32),
        pltpu.VMEM((K, D), jnp.float32),
        pltpu.VMEM((64, D), jnp.float32),
        pltpu.VMEM_SHARED((NPAD, D), jnp.float32),
        pltpu.SemaphoreType.DMA,
    ],
)
def _scatter_kernel(xs_hbm, src_hbm, dst_hbm, out_hbm,
                    sbuf, dbuf, rows, zrows, acc_sh, gsem):
    c = lax.axis_index("c")
    s = lax.axis_index("s")
    wid = s * NC + c
    base = wid * EPW

    def _zero(j, _):
        r = j // 8
        col = (j % 8) * 16
        zrows[r, pl.ds(col, 16)] = jnp.zeros((16,), jnp.float32)
        return 0

    lax.fori_loop(0, 64 * 8, _zero, 0)
    for t in range(RPT // 64):
        pltpu.sync_copy(zrows, acc_sh.at[pl.ds(s * RPT + t * 64, 64), :])
    plsc.subcore_barrier()

    def _step(i, _):
        pltpu.sync_copy(src_hbm.at[pl.ds(base + i * K, K)], sbuf)
        pltpu.sync_copy(dst_hbm.at[pl.ds(base + i * K, K)], dbuf)
        pltpu.async_copy(xs_hbm.at[sbuf], rows, gsem).wait()
        pltpu.sync_copy(rows, acc_sh.at[dbuf], add=True)
        return 0

    lax.fori_loop(0, NCHUNK, _step, 0)
    plsc.subcore_barrier()
    pltpu.sync_copy(acc_sh.at[pl.ds(s * RPT, RPT), :],
                    out_hbm.at[c, pl.ds(s * RPT, RPT), :])


BR = 400
GRID = N // BR


def _k1_body(x_ref, w_ref, degr_ref, out_ref):
    deg = degr_ref[:, 0] + degr_ref[:, 1] + 1.0
    dinv = lax.rsqrt(deg)
    xw = jnp.dot(x_ref[...], w_ref[...], preferred_element_type=jnp.float32,
        precision=lax.Precision.HIGHEST)
    out_ref[...] = xw * dinv[:, None]


def _k3_body(acc_ref, xs_ref, degr_ref, w_ref, b_ref, out_ref):
    deg = degr_ref[:, 0] + degr_ref[:, 1] + 1.0
    dinv = lax.rsqrt(deg)[:, None]
    h = jnp.maximum(
        dinv * (acc_ref[0] + acc_ref[1] + xs_ref[...]) + b_ref[...], 0.0)
    out_ref[...] = jnp.dot(
        h, w_ref[...], preferred_element_type=jnp.float32,
        precision=lax.Precision.HIGHEST) * dinv


def _k5_body(acc_ref, xs_ref, degr_ref, b2_ref, wf1_ref, bf1_ref,
             wf2_ref, bf2_ref, wt_ref, bt_ref, fx_ref, y_ref):
    deg = degr_ref[:, 0] + degr_ref[:, 1] + 1.0
    dinv = lax.rsqrt(deg)[:, None]
    g = jnp.maximum(
        dinv * (acc_ref[0] + acc_ref[1] + xs_ref[...]) + b2_ref[...], 0.0)
    fx = jnp.maximum(
        jnp.dot(g, wf1_ref[...], preferred_element_type=jnp.float32,
        precision=lax.Precision.HIGHEST)
        + bf1_ref[...], 0.0)
    fx_ref[...] = fx
    h2 = jnp.maximum(
        jnp.dot(fx, wf2_ref[...], preferred_element_type=jnp.float32,
        precision=lax.Precision.HIGHEST)
        + bf2_ref[...], 0.0)
    y_ref[...] = jnp.dot(
        h2, wt_ref[...], preferred_element_type=jnp.float32,
        precision=lax.Precision.HIGHEST) + bt_ref[...]


_row_spec = pl.BlockSpec((BR, D), lambda i: (i, 0))
_deg_spec = pl.BlockSpec((BR, 2), lambda i: (i, 0))
_acc_spec = pl.BlockSpec((NC, BR, D), lambda i: (0, i, 0))
_w_spec = pl.BlockSpec((D, D), lambda i: (0, 0))
_b_spec = pl.BlockSpec((1, D), lambda i: (0, 0))

_k1 = pl.pallas_call(
    _k1_body,
    grid=(GRID,),
    in_specs=[_row_spec, _w_spec, _deg_spec],
    out_specs=_row_spec,
    out_shape=jax.ShapeDtypeStruct((N, D), jnp.float32),
)

_k3 = pl.pallas_call(
    _k3_body,
    grid=(GRID,),
    in_specs=[_acc_spec, _row_spec, _deg_spec, _w_spec, _b_spec],
    out_specs=_row_spec,
    out_shape=jax.ShapeDtypeStruct((N, D), jnp.float32),
)

_k5 = pl.pallas_call(
    _k5_body,
    grid=(GRID,),
    in_specs=[_acc_spec, _row_spec, _deg_spec, _b_spec,
              _w_spec, _b_spec, _w_spec, _b_spec, _w_spec, _b_spec],
    out_specs=[_row_spec, _row_spec],
    out_shape=[jax.ShapeDtypeStruct((N, D), jnp.float32),
               jax.ShapeDtypeStruct((N, D), jnp.float32)],
)


def kernel(x, edge_index, W1, b1, W2, b2, Wf1, bf1, Wf2, bf2, Wt0, bt0,
           Wt1, bt1):
    src = edge_index[0]
    dst = edge_index[1]

    degp = _deg_kernel(dst)
    degr = jnp.transpose(degp)

    xs1 = _k1(x, W1, degr)
    acc1 = _scatter_kernel(xs1, src, dst)
    xs2 = _k3(acc1, xs1, degr, W2, b1.reshape(1, D))
    acc2 = _scatter_kernel(xs2, src, dst)

    n_t0 = Wt0.shape[1]
    n_t1 = Wt1.shape[1]
    wt = jnp.zeros((D, D), jnp.float32)
    wt = wt.at[:, :n_t0].set(Wt0).at[:, n_t0:n_t0 + n_t1].set(Wt1)
    bt = jnp.zeros((1, D), jnp.float32)
    bt = bt.at[0, :n_t0].set(bt0).at[0, n_t0:n_t0 + n_t1].set(bt1)

    fx, ypad = _k5(acc2, xs2, degr, b2.reshape(1, D),
                   Wf1, bf1.reshape(1, D), Wf2, bf2.reshape(1, D), wt, bt)
    y0 = ypad[:, :n_t0]
    y1 = ypad[:, n_t0:n_t0 + n_t1]
    return (y0, y1, fx)

# --- scband reference (transcript-rebuilt; emitter-appended) ---
"""Pipeline reference for scband-gcnmodel-31645319036999 (READ-ONLY COPY).

The authoritative reference and input builder live on the scoring server;
editing this copy changes nothing except your own understanding.
"""

import jax, jax.numpy as jnp
import numpy as np

N = 10000
E = 320000
D_IN = 128
D_HID = 128
D_FC = 128
TASK_CLASSES = [10, 10]


def setup_inputs(seed: int = 0):
    key = jax.random.key(seed)
    ks = jax.random.split(key, 16)
    inp = {}
    inp["x"] = jax.random.normal(ks[0], (N, D_IN), dtype=jnp.float32)
    inp["edge_index"] = jax.random.randint(ks[1], (2, E), 0, N, dtype=jnp.int32)
    s1 = 1.0 / np.sqrt(D_IN)
    s2 = 1.0 / np.sqrt(D_HID)
    s3 = 1.0 / np.sqrt(D_FC)
    inp["W1"] = jax.random.uniform(ks[2], (D_IN, D_HID), jnp.float32, -s1, s1)
    inp["b1"] = jax.random.uniform(ks[3], (D_HID,), jnp.float32, -s1, s1)
    inp["W2"] = jax.random.uniform(ks[4], (D_HID, D_HID), jnp.float32, -s2, s2)
    inp["b2"] = jax.random.uniform(ks[5], (D_HID,), jnp.float32, -s2, s2)
    inp["Wf1"] = jax.random.uniform(ks[6], (D_HID, D_FC), jnp.float32, -s2, s2)
    inp["bf1"] = jax.random.uniform(ks[7], (D_FC,), jnp.float32, -s2, s2)
    inp["Wf2"] = jax.random.uniform(ks[8], (D_FC, D_FC), jnp.float32, -s3, s3)
    inp["bf2"] = jax.random.uniform(ks[9], (D_FC,), jnp.float32, -s3, s3)
    inp["Wt0"] = jax.random.uniform(ks[10], (D_FC, TASK_CLASSES[0]), jnp.float32, -s3, s3)
    inp["bt0"] = jax.random.uniform(ks[11], (TASK_CLASSES[0],), jnp.float32, -s3, s3)
    inp["Wt1"] = jax.random.uniform(ks[12], (D_FC, TASK_CLASSES[1]), jnp.float32, -s3, s3)
    inp["bt1"] = jax.random.uniform(ks[13], (TASK_CLASSES[1],), jnp.float32, -s3, s3)
    return inp


def gcn_conv(x, edge_index, W, b):
    # PyG GCNConv (eval): y = D^{-1/2} (A + I) D^{-1/2} (x W) + b
    n = x.shape[0]
    loop = jnp.arange(n, dtype=edge_index.dtype)
    src = jnp.concatenate([edge_index[0], loop])
    dst = jnp.concatenate([edge_index[1], loop])
    deg = jnp.zeros((n,), dtype=x.dtype).at[dst].add(1.0)
    dinv = jax.lax.rsqrt(jnp.maximum(deg, 1e-12))
    norm = dinv[src] * dinv[dst]
    xw = x @ W
    msg = jnp.take(xw, src, axis=0) * norm[:, None]
    out = jax.ops.segment_sum(msg, dst, num_segments=n)
    return out + b


def reference(x, edge_index, W1, b1, W2, b2, Wf1, bf1, Wf2, bf2, Wt0, bt0, Wt1, bt1):
    # dropout layers are identity in eval mode
    h = jax.nn.relu(gcn_conv(x, edge_index, W1, b1))
    h = jax.nn.relu(gcn_conv(h, edge_index, W2, b2))
    feature_x = jax.nn.relu(h @ Wf1 + bf1)
    h2 = jax.nn.relu(feature_x @ Wf2 + bf2)
    y0 = h2 @ Wt0 + bt0
    y1 = h2 @ Wt1 + bt1
    return (y0, y1, feature_x)

if __name__ == "__main__":
    import jax
    _d = setup_inputs()
    print(jax.jit(kernel)(*tuple(_d.values())))

</pallas_src>

<mosaic_0001>
#map = affine_map<(d0, d1) -> (0, 0)>
#map1 = affine_map<(d0, d1) -> (0)>
#map2 = affine_map<(d0, d1) -> (0, 0, 0)>
module attributes {stable_mosaic.version = 14 : i64} {
  func.func @_scatter_kernel(%arg0: i32, %arg1: i32, %arg2: memref<10000x128xf32, #tpu.memory_space<hbm>>, %arg3: memref<320000xi32, #tpu.memory_space<hbm>>, %arg4: memref<320000xi32, #tpu.memory_space<hbm>>, %arg5: memref<2x10240x128xf32, #tpu.memory_space<hbm>>, %arg6: memref<200xi32, #tpu.memory_space<vmem>>, %arg7: memref<200xi32, #tpu.memory_space<vmem>>, %arg8: memref<200x128xf32, #tpu.memory_space<vmem>>, %arg9: memref<64x128xf32, #tpu.memory_space<vmem>>, %arg10: memref<10240x128xf32, #tpu.memory_space<vmem_shared>>, %arg11: memref<!tpu.dma_semaphore, #tpu.memory_space<semaphore_mem>>) attributes {dimension_semantics = [#tpu.dimension_semantics<core_parallel>, #tpu.dimension_semantics<subcore_parallel>], iteration_bounds = array<i64: 2, 16>, scalar_prefetch = 0 : i64, scratch_operands = 6 : i64, tpu.core_type = #tpu.core_type<sc_vector_subcore>, window_params = [{transform_indices = #map}, {transform_indices = #map1}, {transform_indices = #map1}, {transform_indices = #map2}]} {
    %mul3A = arith.constant 2 : i32
    %mul3A_0 = arith.muli %arg1, %mul3A : i32
    %add3A = arith.addi %mul3A_0, %arg0 : i32
    %mul3A_1 = arith.constant 10000 : i32
    %mul3A_2 = arith.muli %add3A, %mul3A_1 : i32
    %scan3A = arith.constant 0 : i32
    %scan3A_3 = arith.constant 0 : i32
    %scan3A_4 = arith.constant 512 : i32
    %scan3A_5 = arith.addi %scan3A_3, %scan3A_4 : i32
    %scan3A_6 = arith.constant 1 : i32
    %scan3A_7 = scf.for %scan3A_61 = %scan3A_3 to %scan3A_5 step %scan3A_6 iter_args(%scan3A_62 = %scan3A) -> (i32)  : i32 {
      %jit3A = arith.constant 8 : i32
      %div3A = arith.divsi %scan3A_61, %jit3A : i32
      %sign3A = arith.constant 0 : i32
      %sign3A_63 = arith.cmpi sgt, %scan3A_61, %sign3A : i32
      %sign3A_64 = arith.extui %sign3A_63 : i1 to i32
      %sign3A_65 = arith.constant 0 : i32
      %sign3A_66 = arith.cmpi slt, %scan3A_61, %sign3A_65 : i32
      %sign3A_67 = arith.extui %sign3A_66 : i1 to i32
      %sign3A_68 = arith.subi %sign3A_64, %sign3A_67 : i32
      %sign3A_69 = arith.constant 0 : i32
      %sign3A_70 = arith.cmpi sgt, %jit3A, %sign3A_69 : i32
      %sign3A_71 = arith.extui %sign3A_70 : i1 to i32
      %sign3A_72 = arith.constant 0 : i32
      %sign3A_73 = arith.cmpi slt, %jit3A, %sign3A_72 : i32
      %sign3A_74 = arith.extui %sign3A_73 : i1 to i32
      %sign3A_75 = arith.subi %sign3A_71, %sign3A_74 : i32
      %ne3A = arith.cmpi ne, %sign3A_68, %sign3A_75 : i32
      %rem3A = arith.remsi %scan3A_61, %jit3A : i32
      %ne3A_76 = arith.constant 0 : i32
      %ne3A_77 = arith.cmpi ne, %rem3A, %ne3A_76 : i32
      %and3A = arith.andi %ne3A, %ne3A_77 : i1
      %sub3A = arith.constant 1 : i32
      %sub3A_78 = arith.subi %div3A, %sub3A : i32
      %select_n3A = arith.select %and3A, %sub3A_78, %div3A : i32
      %jit3A_79 = arith.constant 8 : i32
      %eq3A = arith.constant 0 : i32
      %eq3A_80 = arith.cmpi eq, %jit3A_79, %eq3A : i32
      %jit3A_81 = arith.constant 1 : i32
      %select_n3A_82 = arith.select %eq3A_80, %jit3A_81, %jit3A_79 : i32
      %rem3A_83 = arith.remsi %scan3A_61, %select_n3A_82 : i32
      %ne3A_84 = arith.constant 0 : i32
      %ne3A_85 = arith.cmpi ne, %rem3A_83, %ne3A_84 : i32
      %lt3A = arith.constant 0 : i32
      %lt3A_86 = arith.cmpi slt, %rem3A_83, %lt3A : i32
      %lt3A_87 = arith.constant 0 : i32
      %lt3A_88 = arith.cmpi slt, %select_n3A_82, %lt3A_87 : i32
      %ne3A_89 = arith.xori %lt3A_86, %lt3A_88 : i1
      %and3A_90 = arith.andi %ne3A_89, %ne3A_85 : i1
      %add3A_91 = arith.addi %rem3A_83, %select_n3A_82 : i32
      %select_n3A_92 = arith.select %and3A_90, %add3A_91, %rem3A_83 : i32
      %mul3A_93 = arith.constant 16 : i32
      %mul3A_94 = arith.muli %select_n3A_92, %mul3A_93 : i32
      %broadcast_in_dim3A = arith.constant 0.000000e+00 : f32
      %broadcast_in_dim3A_95 = vector.broadcast %broadcast_in_dim3A : f32 to vector<16xf32>
      %swap3A = arith.index_cast %select_n3A : i32 to index
      %swap3A_96 = arith.index_cast %mul3A_94 : i32 to index
      %swap3A_97 = tpu.vector_load %arg9[%swap3A, %swap3A_96] {strides = array<i32>} : memref<64x128xf32, #tpu.memory_space<vmem>>, vector<1x16xf32>,
      %swap3A_98 = vector.shape_cast %swap3A_97 : vector<1x16xf32> to vector<16xf32>
      %swap3A_99 = vector.shape_cast %broadcast_in_dim3A_95 : vector<16xf32> to vector<1x16xf32>
      tpu.vector_store %arg9[%swap3A, %swap3A_96], %swap3A_99 {strides = array<i32>} : memref<64x128xf32, #tpu.memory_space<vmem>>, vector<1x16xf32>,
      %scan3A_100 = arith.constant 0 : i32
      scf.yield %scan3A_100 : i32
    }
    %scan3A_8 = arith.constant 512 : i32
    %mul3A_9 = arith.constant 640 : i32
    %mul3A_10 = arith.muli %arg1, %mul3A_9 : i32
    %add3A_11 = arith.constant 0 : i32
    %add3A_12 = arith.addi %mul3A_10, %add3A_11 : i32
    "tpu.region"() ({
      %run_scoped3A = tpu.sem_alloc : memref<!tpu.dma_semaphore, #tpu.memory_space<semaphore_mem>>
      %dma_start3A = arith.constant 0 : i32
      %dma_start3A_61 = tpu.memref_slice %arg10[%add3A_12, %dma_start3A] : memref<10240x128xf32, #tpu.memory_space<vmem_shared>> -> memref<64x128xf32, #tpu.memory_space<vmem_shared>>
      %dma_start3A_62 = arith.constant 0 : i32
      %dma_start3A_63 = tpu.memref_slice %arg10[%add3A_12, %dma_start3A_62] : memref<10240x128xf32, #tpu.memory_space<vmem_shared>> -> memref<64x128xf32, #tpu.memory_space<vmem_shared>>
      tpu.enqueue_dma source(%arg9 : memref<64x128xf32, #tpu.memory_space<vmem>>) target(%dma_start3A_63 : memref<64x128xf32, #tpu.memory_space<vmem_shared>>) target_semaphore(%run_scoped3A : memref<!tpu.dma_semaphore, #tpu.memory_space<semaphore_mem>>)
      %dma_wait3A = arith.constant 0 : i32
      %dma_wait3A_64 = tpu.memref_slice %arg10[%add3A_12, %dma_wait3A] : memref<10240x128xf32, #tpu.memory_space<vmem_shared>> -> memref<64x128xf32, #tpu.memory_space<vmem_shared>>
      %dma_wait3A_65 = arith.constant 0 : i32
      %dma_wait3A_66 = tpu.memref_slice %arg10[%add3A_12, %dma_wait3A_65] : memref<10240x128xf32, #tpu.memory_space<vmem_shared>> -> memref<64x128xf32, #tpu.memory_space<vmem_shared>>
      tpu.wait_dma2 semaphore(%run_scoped3A : memref<!tpu.dma_semaphore, #tpu.memory_space<semaphore_mem>>) src(%arg9 : memref<64x128xf32, #tpu.memory_space<vmem>>) dst(%dma_wait3A_66 : memref<64x128xf32, #tpu.memory_space<vmem_shared>>)
      tpu.yield
    }) : () -> ()
    %mul3A_13 = arith.constant 640 : i32
    %mul3A_14 = arith.muli %arg1, %mul3A_13 : i32
    %add3A_15 = arith.constant 64 : i32
    %add3A_16 = arith.addi %mul3A_14, %add3A_15 : i32
    "tpu.region"() ({
      %run_scoped3A = tpu.sem_alloc : memref<!tpu.dma_semaphore, #tpu.memory_space<semaphore_mem>>
      %dma_start3A = arith.constant 0 : i32
      %dma_start3A_61 = tpu.memref_slice %arg10[%add3A_16, %dma_start3A] : memref<10240x128xf32, #tpu.memory_space<vmem_shared>> -> memref<64x128xf32, #tpu.memory_space<vmem_shared>>
      %dma_start3A_62 = arith.constant 0 : i32
      %dma_start3A_63 = tpu.memref_slice %arg10[%add3A_16, %dma_start3A_62] : memref<10240x128xf32, #tpu.memory_space<vmem_shared>> -> memref<64x128xf32, #tpu.memory_space<vmem_shared>>
      tpu.enqueue_dma source(%arg9 : memref<64x128xf32, #tpu.memory_space<vmem>>) target(%dma_start3A_63 : memref<64x128xf32, #tpu.memory_space<vmem_shared>>) target_semaphore(%run_scoped3A : memref<!tpu.dma_semaphore, #tpu.memory_space<semaphore_mem>>)
      %dma_wait3A = arith.constant 0 : i32
      %dma_wait3A_64 = tpu.memref_slice %arg10[%add3A_16, %dma_wait3A] : memref<10240x128xf32, #tpu.memory_space<vmem_shared>> -> memref<64x128xf32, #tpu.memory_space<vmem_shared>>
      %dma_wait3A_65 = arith.constant 0 : i32
      %dma_wait3A_66 = tpu.memref_slice %arg10[%add3A_16, %dma_wait3A_65] : memref<10240x128xf32, #tpu.memory_space<vmem_shared>> -> memref<64x128xf32, #tpu.memory_space<vmem_shared>>
      tpu.wait_dma2 semaphore(%run_scoped3A : memref<!tpu.dma_semaphore, #tpu.memory_space<semaphore_mem>>) src(%arg9 : memref<64x128xf32, #tpu.memory_space<vmem>>) dst(%dma_wait3A_66 : memref<64x128xf32, #tpu.memory_space<vmem_shared>>)
      tpu.yield
    }) : () -> ()
    %mul3A_17 = arith.constant 640 : i32
    %mul3A_18 = arith.muli %arg1, %mul3A_17 : i32
    %add3A_19 = arith.constant 128 : i32
    %add3A_20 = arith.addi %mul3A_18, %add3A_19 : i32
    "tpu.region"() ({
      %run_scoped3A = tpu.sem_alloc : memref<!tpu.dma_semaphore, #tpu.memory_space<semaphore_mem>>
      %dma_start3A = arith.constant 0 : i32
      %dma_start3A_61 = tpu.memref_slice %arg10[%add3A_20, %dma_start3A] : memref<10240x128xf32, #tpu.memory_space<vmem_shared>> -> memref<64x128xf32, #tpu.memory_space<vmem_shared>>
      %dma_start3A_62 = arith.constant 0 : i32
      %dma_start3A_63 = tpu.memref_slice %arg10[%add3A_20, %dma_start3A_62] : memref<10240x128xf32, #tpu.memory_space<vmem_shared>> -> memref<64x128xf32, #tpu.memory_space<vmem_shared>>
      tpu.enqueue_dma source(%arg9 : memref<64x128xf32, #tpu.memory_space<vmem>>) target(%dma_start3A_63 : memref<64x128xf32, #tpu.memory_space<vmem_shared>>) target_semaphore(%run_scoped3A : memref<!tpu.dma_semaphore, #tpu.memory_space<semaphore_mem>>)
      %dma_wait3A = arith.constant 0 : i32
      %dma_wait3A_64 = tpu.memref_slice %arg10[%add3A_20, %dma_wait3A] : memref<10240x128xf32, #tpu.memory_space<vmem_shared>> -> memref<64x128xf32, #tpu.memory_space<vmem_shared>>
      %dma_wait3A_65 = arith.constant 0 : i32
      %dma_wait3A_66 = tpu.memref_slice %arg10[%add3A_20, %dma_wait3A_65] : memref<10240x128xf32, #tpu.memory_space<vmem_shared>> -> memref<64x128xf32, #tpu.memory_space<vmem_shared>>
      tpu.wait_dma2 semaphore(%run_scoped3A : memref<!tpu.dma_semaphore, #tpu.memory_space<semaphore_mem>>) src(%arg9 : memref<64x128xf32, #tpu.memory_space<vmem>>) dst(%dma_wait3A_66 : memref<64x128xf32, #tpu.memory_space<vmem_shared>>)
      tpu.yield
    }) : () -> ()
    %mul3A_21 = arith.constant 640 : i32
    %mul3A_22 = arith.muli %arg1, %mul3A_21 : i32
    %add3A_23 = arith.constant 192 : i32
    %add3A_24 = arith.addi %mul3A_22, %add3A_23 : i32
    "tpu.region"() ({
      %run_scoped3A = tpu.sem_alloc : memref<!tpu.dma_semaphore, #tpu.memory_space<semaphore_mem>>
      %dma_start3A = arith.constant 0 : i32
      %dma_start3A_61 = tpu.memref_slice %arg10[%add3A_24, %dma_start3A] : memref<10240x128xf32, #tpu.memory_space<vmem_shared>> -> memref<64x128xf32, #tpu.memory_space<vmem_shared>>
      %dma_start3A_62 = arith.constant 0 : i32
      %dma_start3A_63 = tpu.memref_slice %arg10[%add3A_24, %dma_start3A_62] : memref<10240x128xf32, #tpu.memory_space<vmem_shared>> -> memref<64x128xf32, #tpu.memory_space<vmem_shared>>
      tpu.enqueue_dma source(%arg9 : memref<64x128xf32, #tpu.memory_space<vmem>>) target(%dma_start3A_63 : memref<64x128xf32, #tpu.memory_space<vmem_shared>>) target_semaphore(%run_scoped3A : memref<!tpu.dma_semaphore, #tpu.memory_space<semaphore_mem>>)
      %dma_wait3A = arith.constant 0 : i32
      %dma_wait3A_64 = tpu.memref_slice %arg10[%add3A_24, %dma_wait3A] : memref<10240x128xf32, #tpu.memory_space<vmem_shared>> -> memref<64x128xf32, #tpu.memory_space<vmem_shared>>
      %dma_wait3A_65 = arith.constant 0 : i32
      %dma_wait3A_66 = tpu.memref_slice %arg10[%add3A_24, %dma_wait3A_65] : memref<10240x128xf32, #tpu.memory_space<vmem_shared>> -> memref<64x128xf32, #tpu.memory_space<vmem_shared>>
      tpu.wait_dma2 semaphore(%run_scoped3A : memref<!tpu.dma_semaphore, #tpu.memory_space<semaphore_mem>>) src(%arg9 : memref<64x128xf32, #tpu.memory_space<vmem>>) dst(%dma_wait3A_66 : memref<64x128xf32, #tpu.memory_space<vmem_shared>>)
      tpu.yield
    }) : () -> ()
    %mul3A_25 = arith.constant 640 : i32
    %mul3A_26 = arith.muli %arg1, %mul3A_25 : i32
    %add3A_27 = arith.constant 256 : i32
    %add3A_28 = arith.addi %mul3A_26, %add3A_27 : i32
    "tpu.region"() ({
      %run_scoped3A = tpu.sem_alloc : memref<!tpu.dma_semaphore, #tpu.memory_space<semaphore_mem>>
      %dma_start3A = arith.constant 0 : i32
      %dma_start3A_61 = tpu.memref_slice %arg10[%add3A_28, %dma_start3A] : memref<10240x128xf32, #tpu.memory_space<vmem_shared>> -> memref<64x128xf32, #tpu.memory_space<vmem_shared>>
      %dma_start3A_62 = arith.constant 0 : i32
      %dma_start3A_63 = tpu.memref_slice %arg10[%add3A_28, %dma_start3A_62] : memref<10240x128xf32, #tpu.memory_space<vmem_shared>> -> memref<64x128xf32, #tpu.memory_space<vmem_shared>>
      tpu.enqueue_dma source(%arg9 : memref<64x128xf32, #tpu.memory_space<vmem>>) target(%dma_start3A_63 : memref<64x128xf32, #tpu.memory_space<vmem_shared>>) target_semaphore(%run_scoped3A : memref<!tpu.dma_semaphore, #tpu.memory_space<semaphore_mem>>)
      %dma_wait3A = arith.constant 0 : i32
      %dma_wait3A_64 = tpu.memref_slice %arg10[%add3A_28, %dma_wait3A] : memref<10240x128xf32, #tpu.memory_space<vmem_shared>> -> memref<64x128xf32, #tpu.memory_space<vmem_shared>>
      %dma_wait3A_65 = arith.constant 0 : i32
      %dma_wait3A_66 = tpu.memref_slice %arg10[%add3A_28, %dma_wait3A_65] : memref<10240x128xf32, #tpu.memory_space<vmem_shared>> -> memref<64x128xf32, #tpu.memory_space<vmem_shared>>
      tpu.wait_dma2 semaphore(%run_scoped3A : memref<!tpu.dma_semaphore, #tpu.memory_space<semaphore_mem>>) src(%arg9 : memref<64x128xf32, #tpu.memory_space<vmem>>) dst(%dma_wait3A_66 : memref<64x128xf32, #tpu.memory_space<vmem_shared>>)
      tpu.yield
    }) : () -> ()
    %mul3A_29 = arith.constant 640 : i32
    %mul3A_30 = arith.muli %arg1, %mul3A_29 : i32
    %add3A_31 = arith.constant 320 : i32
    %add3A_32 = arith.addi %mul3A_30, %add3A_31 : i32
    "tpu.region"() ({
      %run_scoped3A = tpu.sem_alloc : memref<!tpu.dma_semaphore, #tpu.memory_space<semaphore_mem>>
      %dma_start3A = arith.constant 0 : i32
      %dma_start3A_61 = tpu.memref_slice %arg10[%add3A_32, %dma_start3A] : memref<10240x128xf32, #tpu.memory_space<vmem_shared>> -> memref<64x128xf32, #tpu.memory_space<vmem_shared>>
      %dma_start3A_62 = arith.constant 0 : i32
      %dma_start3A_63 = tpu.memref_slice %arg10[%add3A_32, %dma_start3A_62] : memref<10240x128xf32, #tpu.memory_space<vmem_shared>> -> memref<64x128xf32, #tpu.memory_space<vmem_shared>>
      tpu.enqueue_dma source(%arg9 : memref<64x128xf32, #tpu.memory_space<vmem>>) target(%dma_start3A_63 : memref<64x128xf32, #tpu.memory_space<vmem_shared>>) target_semaphore(%run_scoped3A : memref<!tpu.dma_semaphore, #tpu.memory_space<semaphore_mem>>)
      %dma_wait3A = arith.constant 0 : i32
      %dma_wait3A_64 = tpu.memref_slice %arg10[%add3A_32, %dma_wait3A] : memref<10240x128xf32, #tpu.memory_space<vmem_shared>> -> memref<64x128xf32, #tpu.memory_space<vmem_shared>>
      %dma_wait3A_65 = arith.constant 0 : i32
      %dma_wait3A_66 = tpu.memref_slice %arg10[%add3A_32, %dma_wait3A_65] : memref<10240x128xf32, #tpu.memory_space<vmem_shared>> -> memref<64x128xf32, #tpu.memory_space<vmem_shared>>
      tpu.wait_dma2 semaphore(%run_scoped3A : memref<!tpu.dma_semaphore, #tpu.memory_space<semaphore_mem>>) src(%arg9 : memref<64x128xf32, #tpu.memory_space<vmem>>) dst(%dma_wait3A_66 : memref<64x128xf32, #tpu.memory_space<vmem_shared>>)
      tpu.yield
    }) : () -> ()
    %mul3A_33 = arith.constant 640 : i32
    %mul3A_34 = arith.muli %arg1, %mul3A_33 : i32
    %add3A_35 = arith.constant 384 : i32
    %add3A_36 = arith.addi %mul3A_34, %add3A_35 : i32
    "tpu.region"() ({
      %run_scoped3A = tpu.sem_alloc : memref<!tpu.dma_semaphore, #tpu.memory_space<semaphore_mem>>
      %dma_start3A = arith.constant 0 : i32
      %dma_start3A_61 = tpu.memref_slice %arg10[%add3A_36, %dma_start3A] : memref<10240x128xf32, #tpu.memory_space<vmem_shared>> -> memref<64x128xf32, #tpu.memory_space<vmem_shared>>
      %dma_start3A_62 = arith.constant 0 : i32
      %dma_start3A_63 = tpu.memref_slice %arg10[%add3A_36, %dma_start3A_62] : memref<10240x128xf32, #tpu.memory_space<vmem_shared>> -> memref<64x128xf32, #tpu.memory_space<vmem_shared>>
      tpu.enqueue_dma source(%arg9 : memref<64x128xf32, #tpu.memory_space<vmem>>) target(%dma_start3A_63 : memref<64x128xf32, #tpu.memory_space<vmem_shared>>) target_semaphore(%run_scoped3A : memref<!tpu.dma_semaphore, #tpu.memory_space<semaphore_mem>>)
      %dma_wait3A = arith.constant 0 : i32
      %dma_wait3A_64 = tpu.memref_slice %arg10[%add3A_36, %dma_wait3A] : memref<10240x128xf32, #tpu.memory_space<vmem_shared>> -> memref<64x128xf32, #tpu.memory_space<vmem_shared>>
      %dma_wait3A_65 = arith.constant 0 : i32
      %dma_wait3A_66 = tpu.memref_slice %arg10[%add3A_36, %dma_wait3A_65] : memref<10240x128xf32, #tpu.memory_space<vmem_shared>> -> memref<64x128xf32, #tpu.memory_space<vmem_shared>>
      tpu.wait_dma2 semaphore(%run_scoped3A : memref<!tpu.dma_semaphore, #tpu.memory_space<semaphore_mem>>) src(%arg9 : memref<64x128xf32, #tpu.memory_space<vmem>>) dst(%dma_wait3A_66 : memref<64x128xf32, #tpu.memory_space<vmem_shared>>)
      tpu.yield
    }) : () -> ()
    %mul3A_37 = arith.constant 640 : i32
    %mul3A_38 = arith.muli %arg1, %mul3A_37 : i32
    %add3A_39 = arith.constant 448 : i32
    %add3A_40 = arith.addi %mul3A_38, %add3A_39 : i32
    "tpu.region"() ({
      %run_scoped3A = tpu.sem_alloc : memref<!tpu.dma_semaphore, #tpu.memory_space<semaphore_mem>>
      %dma_start3A = arith.constant 0 : i32
      %dma_start3A_61 = tpu.memref_slice %arg10[%add3A_40, %dma_start3A] : memref<10240x128xf32, #tpu.memory_space<vmem_shared>> -> memref<64x128xf32, #tpu.memory_space<vmem_shared>>
      %dma_start3A_62 = arith.constant 0 : i32
      %dma_start3A_63 = tpu.memref_slice %arg10[%add3A_40, %dma_start3A_62] : memref<10240x128xf32, #tpu.memory_space<vmem_shared>> -> memref<64x128xf32, #tpu.memory_space<vmem_shared>>
      tpu.enqueue_dma source(%arg9 : memref<64x128xf32, #tpu.memory_space<vmem>>) target(%dma_start3A_63 : memref<64x128xf32, #tpu.memory_space<vmem_shared>>) target_semaphore(%run_scoped3A : memref<!tpu.dma_semaphore, #tpu.memory_space<semaphore_mem>>)
      %dma_wait3A = arith.constant 0 : i32
      %dma_wait3A_64 = tpu.memref_slice %arg10[%add3A_40, %dma_wait3A] : memref<10240x128xf32, #tpu.memory_space<vmem_shared>> -> memref<64x128xf32, #tpu.memory_space<vmem_shared>>
      %dma_wait3A_65 = arith.constant 0 : i32
      %dma_wait3A_66 = tpu.memref_slice %arg10[%add3A_40, %dma_wait3A_65] : memref<10240x128xf32, #tpu.memory_space<vmem_shared>> -> memref<64x128xf32, #tpu.memory_space<vmem_shared>>
      tpu.wait_dma2 semaphore(%run_scoped3A : memref<!tpu.dma_semaphore, #tpu.memory_space<semaphore_mem>>) src(%arg9 : memref<64x128xf32, #tpu.memory_space<vmem>>) dst(%dma_wait3A_66 : memref<64x128xf32, #tpu.memory_space<vmem_shared>>)
      tpu.yield
    }) : () -> ()
    %mul3A_41 = arith.constant 640 : i32
    %mul3A_42 = arith.muli %arg1, %mul3A_41 : i32
    %add3A_43 = arith.constant 512 : i32
    %add3A_44 = arith.addi %mul3A_42, %add3A_43 : i32
    "tpu.region"() ({
      %run_scoped3A = tpu.sem_alloc : memref<!tpu.dma_semaphore, #tpu.memory_space<semaphore_mem>>
      %dma_start3A = arith.constant 0 : i32
      %dma_start3A_61 = tpu.memref_slice %arg10[%add3A_44, %dma_start3A] : memref<10240x128xf32, #tpu.memory_space<vmem_shared>> -> memref<64x128xf32, #tpu.memory_space<vmem_shared>>
      %dma_start3A_62 = arith.constant 0 : i32
      %dma_start3A_63 = tpu.memref_slice %arg10[%add3A_44, %dma_start3A_62] : memref<10240x128xf32, #tpu.memory_space<vmem_shared>> -> memref<64x128xf32, #tpu.memory_space<vmem_shared>>
      tpu.enqueue_dma source(%arg9 : memref<64x128xf32, #tpu.memory_space<vmem>>) target(%dma_start3A_63 : memref<64x128xf32, #tpu.memory_space<vmem_shared>>) target_semaphore(%run_scoped3A : memref<!tpu.dma_semaphore, #tpu.memory_space<semaphore_mem>>)
      %dma_wait3A = arith.constant 0 : i32
      %dma_wait3A_64 = tpu.memref_slice %arg10[%add3A_44, %dma_wait3A] : memref<10240x128xf32, #tpu.memory_space<vmem_shared>> -> memref<64x128xf32, #tpu.memory_space<vmem_shared>>
      %dma_wait3A_65 = arith.constant 0 : i32
      %dma_wait3A_66 = tpu.memref_slice %arg10[%add3A_44, %dma_wait3A_65] : memref<10240x128xf32, #tpu.memory_space<vmem_shared>> -> memref<64x128xf32, #tpu.memory_space<vmem_shared>>
      tpu.wait_dma2 semaphore(%run_scoped3A : memref<!tpu.dma_semaphore, #tpu.memory_space<semaphore_mem>>) src(%arg9 : memref<64x128xf32, #tpu.memory_space<vmem>>) dst(%dma_wait3A_66 : memref<64x128xf32, #tpu.memory_space<vmem_shared>>)
      tpu.yield
    }) : () -> ()
    %mul3A_45 = arith.constant 640 : i32
    %mul3A_46 = arith.muli %arg1, %mul3A_45 : i32
    %add3A_47 = arith.constant 576 : i32
    %add3A_48 = arith.addi %mul3A_46, %add3A_47 : i32
    "tpu.region"() ({
      %run_scoped3A = tpu.sem_alloc : memref<!tpu.dma_semaphore, #tpu.memory_space<semaphore_mem>>
      %dma_start3A = arith.constant 0 : i32
      %dma_start3A_61 = tpu.memref_slice %arg10[%add3A_48, %dma_start3A] : memref<10240x128xf32, #tpu.memory_space<vmem_shared>> -> memref<64x128xf32, #tpu.memory_space<vmem_shared>>
      %dma_start3A_62 = arith.constant 0 : i32
      %dma_start3A_63 = tpu.memref_slice %arg10[%add3A_48, %dma_start3A_62] : memref<10240x128xf32, #tpu.memory_space<vmem_shared>> -> memref<64x128xf32, #tpu.memory_space<vmem_shared>>
      tpu.enqueue_dma source(%arg9 : memref<64x128xf32, #tpu.memory_space<vmem>>) target(%dma_start3A_63 : memref<64x128xf32, #tpu.memory_space<vmem_shared>>) target_semaphore(%run_scoped3A : memref<!tpu.dma_semaphore, #tpu.memory_space<semaphore_mem>>)
      %dma_wait3A = arith.constant 0 : i32
      %dma_wait3A_64 = tpu.memref_slice %arg10[%add3A_48, %dma_wait3A] : memref<10240x128xf32, #tpu.memory_space<vmem_shared>> -> memref<64x128xf32, #tpu.memory_space<vmem_shared>>
      %dma_wait3A_65 = arith.constant 0 : i32
      %dma_wait3A_66 = tpu.memref_slice %arg10[%add3A_48, %dma_wait3A_65] : memref<10240x128xf32, #tpu.memory_space<vmem_shared>> -> memref<64x128xf32, #tpu.memory_space<vmem_shared>>
      tpu.wait_dma2 semaphore(%run_scoped3A : memref<!tpu.dma_semaphore, #tpu.memory_space<semaphore_mem>>) src(%arg9 : memref<64x128xf32, #tpu.memory_space<vmem>>) dst(%dma_wait3A_66 : memref<64x128xf32, #tpu.memory_space<vmem_shared>>)
      tpu.yield
    }) : () -> ()
    %barrier3A = arith.constant 0 : index
    tpu.barrier barrier_id(%barrier3A)
    %scan3A_49 = arith.constant 0 : i32
    %scan3A_50 = arith.constant 0 : i32
    %scan3A_51 = arith.constant 50 : i32
    %scan3A_52 = arith.addi %scan3A_50, %scan3A_51 : i32
    %scan3A_53 = arith.constant 1 : i32
    %scan3A_54 = scf.for %scan3A_61 = %scan3A_50 to %scan3A_52 step %scan3A_53 iter_args(%scan3A_62 = %scan3A_49) -> (i32)  : i32 {
      %mul3A_63 = arith.constant 200 : i32
      %mul3A_64 = arith.muli %scan3A_61, %mul3A_63 : i32
      %add3A_65 = arith.addi %mul3A_2, %mul3A_64 : i32
      "tpu.region"() ({
        %run_scoped3A = tpu.sem_alloc : memref<!tpu.dma_semaphore, #tpu.memory_space<semaphore_mem>>
        %dma_start3A_74 = tpu.memref_slice %arg3[%add3A_65] : memref<320000xi32, #tpu.memory_space<hbm>> -> memref<200xi32, #tpu.memory_space<hbm>>
        %dma_start3A_75 = tpu.memref_slice %arg3[%add3A_65] : memref<320000xi32, #tpu.memory_space<hbm>> -> memref<200xi32, #tpu.memory_space<hbm>>
        tpu.enqueue_dma source(%dma_start3A_75 : memref<200xi32, #tpu.memory_space<hbm>>) target(%arg6 : memref<200xi32, #tpu.memory_space<vmem>>) target_semaphore(%run_scoped3A : memref<!tpu.dma_semaphore, #tpu.memory_space<semaphore_mem>>)
        %dma_wait3A_76 = tpu.memref_slice %arg3[%add3A_65] : memref<320000xi32, #tpu.memory_space<hbm>> -> memref<200xi32, #tpu.memory_space<hbm>>
        %dma_wait3A_77 = tpu.memref_slice %arg3[%add3A_65] : memref<320000xi32, #tpu.memory_space<hbm>> -> memref<200xi32, #tpu.memory_space<hbm>>
        tpu.wait_dma2 semaphore(%run_scoped3A : memref<!tpu.dma_semaphore, #tpu.memory_space<semaphore_mem>>) src(%dma_wait3A_77 : memref<200xi32, #tpu.memory_space<hbm>>) dst(%arg6 : memref<200xi32, #tpu.memory_space<vmem>>)
        tpu.yield
      }) : () -> ()
      %mul3A_66 = arith.constant 200 : i32
      %mul3A_67 = arith.muli %scan3A_61, %mul3A_66 : i32
      %add3A_68 = arith.addi %mul3A_2, %mul3A_67 : i32
      "tpu.region"() ({
        %run_scoped3A = tpu.sem_alloc : memref<!tpu.dma_semaphore, #tpu.memory_space<semaphore_mem>>
        %dma_start3A_74 = tpu.memref_slice %arg4[%add3A_68] : memref<320000xi32, #tpu.memory_space<hbm>> -> memref<200xi32, #tpu.memory_space<hbm>>
        %dma_start3A_75 = tpu.memref_slice %arg4[%add3A_68] : memref<320000xi32, #tpu.memory_space<hbm>> -> memref<200xi32, #tpu.memory_space<hbm>>
        tpu.enqueue_dma source(%dma_start3A_75 : memref<200xi32, #tpu.memory_space<hbm>>) target(%arg7 : memref<200xi32, #tpu.memory_space<vmem>>) target_semaphore(%run_scoped3A : memref<!tpu.dma_semaphore, #tpu.memory_space<semaphore_mem>>)
        %dma_wait3A_76 = tpu.memref_slice %arg4[%add3A_68] : memref<320000xi32, #tpu.memory_space<hbm>> -> memref<200xi32, #tpu.memory_space<hbm>>
        %dma_wait3A_77 = tpu.memref_slice %arg4[%add3A_68] : memref<320000xi32, #tpu.memory_space<hbm>> -> memref<200xi32, #tpu.memory_space<hbm>>
        tpu.wait_dma2 semaphore(%run_scoped3A : memref<!tpu.dma_semaphore, #tpu.memory_space<semaphore_mem>>) src(%dma_wait3A_77 : memref<200xi32, #tpu.memory_space<hbm>>) dst(%arg7 : memref<200xi32, #tpu.memory_space<vmem>>)
        tpu.yield
      }) : () -> ()
      %dma_start3A = arith.constant 0 : i32
      %dma_start3A_69 = arith.constant 0 : i32
      %dma_start3A_70 = tpu.memref_slice %arg2[%dma_start3A, %dma_start3A_69] : memref<10000x128xf32, #tpu.memory_space<hbm>> -> memref<10000x128xf32, #tpu.memory_space<hbm>>
      tpu.enqueue_indirect_dma source(%dma_start3A_70 : memref<10000x128xf32, #tpu.memory_space<hbm>>) target(%arg8 : memref<200x128xf32, #tpu.memory_space<vmem>>) offsets(%arg6 : memref<200xi32, #tpu.memory_space<vmem>>) semaphore(%arg11 : memref<!tpu.dma_semaphore, #tpu.memory_space<semaphore_mem>>)
      %dma_wait3A = arith.constant 0 : i32
      %dma_wait3A_71 = arith.constant 0 : i32
      %dma_wait3A_72 = tpu.memref_slice %arg2[%dma_wait3A, %dma_wait3A_71] : memref<10000x128xf32, #tpu.memory_space<hbm>> -> memref<10000x128xf32, #tpu.memory_space<hbm>>
      tpu.wait_indirect_dma semaphore(%arg11 : memref<!tpu.dma_semaphore, #tpu.memory_space<semaphore_mem>>) src(%dma_wait3A_72 : memref<10000x128xf32, #tpu.memory_space<hbm>>) dst(%arg8 : memref<200x128xf32, #tpu.memory_space<vmem>>)
      "tpu.region"() ({
        %run_scoped3A = tpu.sem_alloc : memref<!tpu.dma_semaphore, #tpu.memory_space<semaphore_mem>>
        %dma_start3A_74 = arith.constant 0 : i32
        %dma_start3A_75 = arith.constant 0 : i32
        %dma_start3A_76 = tpu.memref_slice %arg10[%dma_start3A_74, %dma_start3A_75] : memref<10240x128xf32, #tpu.memory_space<vmem_shared>> -> memref<10240x128xf32, #tpu.memory_space<vmem_shared>>
        tpu.enqueue_indirect_dma source(%arg8 : memref<200x128xf32, #tpu.memory_space<vmem>>) target(%dma_start3A_76 : memref<10240x128xf32, #tpu.memory_space<vmem_shared>>) offsets(%arg7 : memref<200xi32, #tpu.memory_space<vmem>>) semaphore(%run_scoped3A : memref<!tpu.dma_semaphore, #tpu.memory_space<semaphore_mem>>) {add = true}
        %dma_wait3A_77 = arith.constant 0 : i32
        %dma_wait3A_78 = arith.constant 0 : i32
        %dma_wait3A_79 = tpu.memref_slice %arg10[%dma_wait3A_77, %dma_wait3A_78] : memref<10240x128xf32, #tpu.memory_space<vmem_shared>> -> memref<10240x128xf32, #tpu.memory_space<vmem_shared>>
        tpu.wait_indirect_dma semaphore(%run_scoped3A : memref<!tpu.dma_semaphore, #tpu.memory_space<semaphore_mem>>) src(%arg8 : memref<200x128xf32, #tpu.memory_space<vmem>>) dst(%dma_wait3A_79 : memref<10240x128xf32, #tpu.memory_space<vmem_shared>>)
        tpu.yield
      }) : () -> ()
      %scan3A_73 = arith.constant 0 : i32
      scf.yield %scan3A_73 : i32
    }
    %scan3A_55 = arith.constant 50 : i32
    %barrier3A_56 = arith.constant 0 : index
    tpu.barrier barrier_id(%barrier3A_56)
    %mul3A_57 = arith.constant 640 : i32
    %mul3A_58 = arith.muli %arg1, %mul3A_57 : i32
    %mul3A_59 = arith.constant 640 : i32
    %mul3A_60 = arith.muli %arg1, %mul3A_59 : i32
    "tpu.region"() ({
      %run_scoped3A = tpu.sem_alloc : memref<!tpu.dma_semaphore, #tpu.memory_space<semaphore_mem>>
      %dma_start3A = arith.constant 0 : i32
      %dma_start3A_61 = tpu.memref_slice %arg5[%arg0, %mul3A_60, %dma_start3A] : memref<2x10240x128xf32, #tpu.memory_space<hbm>> -> memref<1x640x128xf32, #tpu.memory_space<hbm>>
      %dma_start3A_62 = tpu.memref_squeeze %dma_start3A_61 : memref<1x640x128xf32, #tpu.memory_space<hbm>> -> memref<640x128xf32, #tpu.memory_space<hbm>>
      %dma_start3A_63 = arith.constant 0 : i32
      %dma_start3A_64 = tpu.memref_slice %arg10[%mul3A_58, %dma_start3A_63] : memref<10240x128xf32, #tpu.memory_space<vmem_shared>> -> memref<640x128xf32, #tpu.memory_space<vmem_shared>>
      tpu.enqueue_dma source(%dma_start3A_64 : memref<640x128xf32, #tpu.memory_space<vmem_shared>>) target(%dma_start3A_62 : memref<640x128xf32, #tpu.memory_space<hbm>>) target_semaphore(%run_scoped3A : memref<!tpu.dma_semaphore, #tpu.memory_space<semaphore_mem>>)
      %dma_wait3A = arith.constant 0 : i32
      %dma_wait3A_65 = tpu.memref_slice %arg5[%arg0, %mul3A_60, %dma_wait3A] : memref<2x10240x128xf32, #tpu.memory_space<hbm>> -> memref<1x640x128xf32, #tpu.memory_space<hbm>>
      %dma_wait3A_66 = tpu.memref_squeeze %dma_wait3A_65 : memref<1x640x128xf32, #tpu.memory_space<hbm>> -> memref<640x128xf32, #tpu.memory_space<hbm>>
      %dma_wait3A_67 = arith.constant 0 : i32
      %dma_wait3A_68 = tpu.memref_slice %arg10[%mul3A_58, %dma_wait3A_67] : memref<10240x128xf32, #tpu.memory_space<vmem_shared>> -> memref<640x128xf32, #tpu.memory_space<vmem_shared>>
      tpu.wait_dma2 semaphore(%run_scoped3A : memref<!tpu.dma_semaphore, #tpu.memory_space<semaphore_mem>>) src(%dma_wait3A_68 : memref<640x128xf32, #tpu.memory_space<vmem_shared>>) dst(%dma_wait3A_66 : memref<640x128xf32, #tpu.memory_space<hbm>>)
      tpu.yield
    }) : () -> ()
    return
  }
}

#map = affine_map<(d0, d1) -> (0)>
#map1 = affine_map<(d0, d1) -> (0, 0)>
module attributes {stable_mosaic.version = 14 : i64} {
  func.func @_deg_kernel(%arg0: i32, %arg1: i32, %arg2: memref<320000xi32, #tpu.memory_space<hbm>>, %arg3: memref<2x10240xf32, #tpu.memory_space<hbm>>, %arg4: memref<200xi32, #tpu.memory_space<vmem>>, %arg5: memref<200xf32, #tpu.memory_space<vmem>>, %arg6: memref<640xf32, #tpu.memory_space<vmem>>, %arg7: memref<10240xf32, #tpu.memory_space<vmem_shared>>) attributes {dimension_semantics = [#tpu.dimension_semantics<core_parallel>, #tpu.dimension_semantics<subcore_parallel>], iteration_bounds = array<i64: 2, 16>, scalar_prefetch = 0 : i64, scratch_operands = 4 : i64, tpu.core_type = #tpu.core_type<sc_vector_subcore>, window_params = [{transform_indices = #map}, {transform_indices = #map1}]} {
    %mul3A = arith.constant 2 : i32
    %mul3A_0 = arith.muli %arg1, %mul3A : i32
    %add3A = arith.addi %mul3A_0, %arg0 : i32
    %mul3A_1 = arith.constant 10000 : i32
    %mul3A_2 = arith.muli %add3A, %mul3A_1 : i32
    %scan3A = arith.constant 0 : i32
    %scan3A_3 = arith.constant 0 : i32
    %scan3A_4 = arith.constant 12 : i32
    %scan3A_5 = arith.addi %scan3A_3, %scan3A_4 : i32
    %scan3A_6 = arith.constant 1 : i32
    %scan3A_7 = scf.for %scan3A_30 = %scan3A_3 to %scan3A_5 step %scan3A_6 iter_args(%scan3A_31 = %scan3A) -> (i32)  : i32 {
      %broadcast_in_dim3A = arith.constant 1.000000e+00 : f32
      %broadcast_in_dim3A_32 = vector.broadcast %broadcast_in_dim3A : f32 to vector<16xf32>
      %mul3A_33 = arith.constant 16 : i32
      %mul3A_34 = arith.muli %scan3A_30, %mul3A_33 : i32
      %swap3A = arith.index_cast %mul3A_34 : i32 to index
      %swap3A_35 = tpu.vector_load %arg5[%swap3A] {strides = array<i32>} : memref<200xf32, #tpu.memory_space<vmem>>, vector<16xf32>,
      %swap3A_36 = vector.shape_cast %swap3A_35 : vector<16xf32> to vector<16xf32>
      %swap3A_37 = vector.shape_cast %broadcast_in_dim3A_32 : vector<16xf32> to vector<16xf32>
      tpu.vector_store %arg5[%swap3A], %swap3A_37 {strides = array<i32>} : memref<200xf32, #tpu.memory_space<vmem>>, vector<16xf32>,
      %scan3A_38 = arith.constant 0 : i32
      scf.yield %scan3A_38 : i32
    }
    %scan3A_8 = arith.constant 12 : i32
    %scan3A_9 = arith.constant 0 : i32
    %scan3A_10 = arith.constant 0 : i32
    %scan3A_11 = arith.constant 40 : i32
    %scan3A_12 = arith.addi %scan3A_10, %scan3A_11 : i32
    %scan3A_13 = arith.constant 1 : i32
    %scan3A_14 = scf.for %scan3A_30 = %scan3A_10 to %scan3A_12 step %scan3A_13 iter_args(%scan3A_31 = %scan3A_9) -> (i32)  : i32 {
      %broadcast_in_dim3A = arith.constant 0.000000e+00 : f32
      %broadcast_in_dim3A_32 = vector.broadcast %broadcast_in_dim3A : f32 to vector<16xf32>
      %mul3A_33 = arith.constant 16 : i32
      %mul3A_34 = arith.muli %scan3A_30, %mul3A_33 : i32
      %swap3A = arith.index_cast %mul3A_34 : i32 to index
      %swap3A_35 = tpu.vector_load %arg6[%swap3A] {strides = array<i32>} : memref<640xf32, #tpu.memory_space<vmem>>, vector<16xf32>,
      %swap3A_36 = vector.shape_cast %swap3A_35 : vector<16xf32> to vector<16xf32>
      %swap3A_37 = vector.shape_cast %broadcast_in_dim3A_32 : vector<16xf32> to vector<16xf32>
      tpu.vector_store %arg6[%swap3A], %swap3A_37 {strides = array<i32>} : memref<640xf32, #tpu.memory_space<vmem>>, vector<16xf32>,
      %scan3A_38 = arith.constant 0 : i32
      scf.yield %scan3A_38 : i32
    }
    %scan3A_15 = arith.constant 40 : i32
    %mul3A_16 = arith.constant 640 : i32
    %mul3A_17 = arith.muli %arg1, %mul3A_16 : i32
    "tpu.region"() ({
      %run_scoped3A = tpu.sem_alloc : memref<!tpu.dma_semaphore, #tpu.memory_space<semaphore_mem>>
      %dma_start3A = tpu.memref_slice %arg7[%mul3A_17] : memref<10240xf32, #tpu.memory_space<vmem_shared>> -> memref<640xf32, #tpu.memory_space<vmem_shared>>
      %dma_start3A_30 = tpu.memref_slice %arg7[%mul3A_17] : memref<10240xf32, #tpu.memory_space<vmem_shared>> -> memref<640xf32, #tpu.memory_space<vmem_shared>>
      tpu.enqueue_dma source(%arg6 : memref<640xf32, #tpu.memory_space<vmem>>) target(%dma_start3A_30 : memref<640xf32, #tpu.memory_space<vmem_shared>>) target_semaphore(%run_scoped3A : memref<!tpu.dma_semaphore, #tpu.memory_space<semaphore_mem>>)
      %dma_wait3A = tpu.memref_slice %arg7[%mul3A_17] : memref<10240xf32, #tpu.memory_space<vmem_shared>> -> memref<640xf32, #tpu.memory_space<vmem_shared>>
      %dma_wait3A_31 = tpu.memref_slice %arg7[%mul3A_17] : memref<10240xf32, #tpu.memory_space<vmem_shared>> -> memref<640xf32, #tpu.memory_space<vmem_shared>>
      tpu.wait_dma2 semaphore(%run_scoped3A : memref<!tpu.dma_semaphore, #tpu.memory_space<semaphore_mem>>) src(%arg6 : memref<640xf32, #tpu.memory_space<vmem>>) dst(%dma_wait3A_31 : memref<640xf32, #tpu.memory_space<vmem_shared>>)
      tpu.yield
    }) : () -> ()
    %barrier3A = arith.constant 0 : index
    tpu.barrier barrier_id(%barrier3A)
    %scan3A_18 = arith.constant 0 : i32
    %scan3A_19 = arith.constant 0 : i32
    %scan3A_20 = arith.constant 50 : i32
    %scan3A_21 = arith.addi %scan3A_19, %scan3A_20 : i32
    %scan3A_22 = arith.constant 1 : i32
    %scan3A_23 = scf.for %scan3A_30 = %scan3A_19 to %scan3A_21 step %scan3A_22 iter_args(%scan3A_31 = %scan3A_18) -> (i32)  : i32 {
      %mul3A_32 = arith.constant 200 : i32
      %mul3A_33 = arith.muli %scan3A_30, %mul3A_32 : i32
      %add3A_34 = arith.addi %mul3A_2, %mul3A_33 : i32
      "tpu.region"() ({
        %run_scoped3A = tpu.sem_alloc : memref<!tpu.dma_semaphore, #tpu.memory_space<semaphore_mem>>
        %dma_start3A = tpu.memref_slice %arg2[%add3A_34] : memref<320000xi32, #tpu.memory_space<hbm>> -> memref<200xi32, #tpu.memory_space<hbm>>
        %dma_start3A_36 = tpu.memref_slice %arg2[%add3A_34] : memref<320000xi32, #tpu.memory_space<hbm>> -> memref<200xi32, #tpu.memory_space<hbm>>
        tpu.enqueue_dma source(%dma_start3A_36 : memref<200xi32, #tpu.memory_space<hbm>>) target(%arg4 : memref<200xi32, #tpu.memory_space<vmem>>) target_semaphore(%run_scoped3A : memref<!tpu.dma_semaphore, #tpu.memory_space<semaphore_mem>>)
        %dma_wait3A = tpu.memref_slice %arg2[%add3A_34] : memref<320000xi32, #tpu.memory_space<hbm>> -> memref<200xi32, #tpu.memory_space<hbm>>
        %dma_wait3A_37 = tpu.memref_slice %arg2[%add3A_34] : memref<320000xi32, #tpu.memory_space<hbm>> -> memref<200xi32, #tpu.memory_space<hbm>>
        tpu.wait_dma2 semaphore(%run_scoped3A : memref<!tpu.dma_semaphore, #tpu.memory_space<semaphore_mem>>) src(%dma_wait3A_37 : memref<200xi32, #tpu.memory_space<hbm>>) dst(%arg4 : memref<200xi32, #tpu.memory_space<vmem>>)
        tpu.yield
      }) : () -> ()
      "tpu.region"() ({
        %run_scoped3A = tpu.sem_alloc : memref<!tpu.dma_semaphore, #tpu.memory_space<semaphore_mem>>
        %dma_start3A = arith.constant 0 : i32
        %dma_start3A_36 = tpu.memref_slice %arg7[%dma_start3A] : memref<10240xf32, #tpu.memory_space<vmem_shared>> -> memref<10240xf32, #tpu.memory_space<vmem_shared>>
        tpu.enqueue_indirect_dma source(%arg5 : memref<200xf32, #tpu.memory_space<vmem>>) target(%dma_start3A_36 : memref<10240xf32, #tpu.memory_space<vmem_shared>>) offsets(%arg4 : memref<200xi32, #tpu.memory_space<vmem>>) semaphore(%run_scoped3A : memref<!tpu.dma_semaphore, #tpu.memory_space<semaphore_mem>>) {add = true}
        %dma_wait3A = arith.constant 0 : i32
        %dma_wait3A_37 = tpu.memref_slice %arg7[%dma_wait3A] : memref<10240xf32, #tpu.memory_space<vmem_shared>> -> memref<10240xf32, #tpu.memory_space<vmem_shared>>
        tpu.wait_indirect_dma semaphore(%run_scoped3A : memref<!tpu.dma_semaphore, #tpu.memory_space<semaphore_mem>>) src(%arg5 : memref<200xf32, #tpu.memory_space<vmem>>) dst(%dma_wait3A_37 : memref<10240xf32, #tpu.memory_space<vmem_shared>>)
        tpu.yield
      }) : () -> ()
      %scan3A_35 = arith.constant 0 : i32
      scf.yield %scan3A_35 : i32
    }
    %scan3A_24 = arith.constant 50 : i32
    %barrier3A_25 = arith.constant 0 : index
    tpu.barrier barrier_id(%barrier3A_25)
    %mul3A_26 = arith.constant 640 : i32
    %mul3A_27 = arith.muli %arg1, %mul3A_26 : i32
    %mul3A_28 = arith.constant 640 : i32
    %mul3A_29 = arith.muli %arg1, %mul3A_28 : i32
    "tpu.region"() ({
      %run_scoped3A = tpu.sem_alloc : memref<!tpu.dma_semaphore, #tpu.memory_space<semaphore_mem>>
      %dma_start3A = tpu.memref_slice %arg3[%arg0, %mul3A_29] : memref<2x10240xf32, #tpu.memory_space<hbm>> -> memref<1x640xf32, #tpu.memory_space<hbm>>
      %dma_start3A_30 = tpu.memref_squeeze %dma_start3A : memref<1x640xf32, #tpu.memory_space<hbm>> -> memref<640xf32, #tpu.memory_space<hbm>>
      %dma_start3A_31 = tpu.memref_slice %arg7[%mul3A_27] : memref<10240xf32, #tpu.memory_space<vmem_shared>> -> memref<640xf32, #tpu.memory_space<vmem_shared>>
      tpu.enqueue_dma source(%dma_start3A_31 : memref<640xf32, #tpu.memory_space<vmem_shared>>) target(%dma_start3A_30 : memref<640xf32, #tpu.memory_space<hbm>>) target_semaphore(%run_scoped3A : memref<!tpu.dma_semaphore, #tpu.memory_space<semaphore_mem>>)
      %dma_wait3A = tpu.memref_slice %arg3[%arg0, %mul3A_29] : memref<2x10240xf32, #tpu.memory_space<hbm>> -> memref<1x640xf32, #tpu.memory_space<hbm>>
      %dma_wait3A_32 = tpu.memref_squeeze %dma_wait3A : memref<1x640xf32, #tpu.memory_space<hbm>> -> memref<640xf32, #tpu.memory_space<hbm>>
      %dma_wait3A_33 = tpu.memref_slice %arg7[%mul3A_27] : memref<10240xf32, #tpu.memory_space<vmem_shared>> -> memref<640xf32, #tpu.memory_space<vmem_shared>>
      tpu.wait_dma2 semaphore(%run_scoped3A : memref<!tpu.dma_semaphore, #tpu.memory_space<semaphore_mem>>) src(%dma_wait3A_33 : memref<640xf32, #tpu.memory_space<vmem_shared>>) dst(%dma_wait3A_32 : memref<640xf32, #tpu.memory_space<hbm>>)
      tpu.yield
    }) : () -> ()
    return
  }
}

#map = affine_map<(d0, d1) -> (0, 0)>
#map1 = affine_map<(d0, d1) -> (0)>
#map2 = affine_map<(d0, d1) -> (0, 0, 0)>
module attributes {stable_mosaic.version = 14 : i64} {
  func.func @_scatter_kernel(%arg0: i32, %arg1: i32, %arg2: memref<10000x128xf32, #tpu.memory_space<hbm>>, %arg3: memref<320000xi32, #tpu.memory_space<hbm>>, %arg4: memref<320000xi32, #tpu.memory_space<hbm>>, %arg5: memref<2x10240x128xf32, #tpu.memory_space<hbm>>, %arg6: memref<200xi32, #tpu.memory_space<vmem>>, %arg7: memref<200xi32, #tpu.memory_space<vmem>>, %arg8: memref<200x128xf32, #tpu.memory_space<vmem>>, %arg9: memref<64x128xf32, #tpu.memory_space<vmem>>, %arg10: memref<10240x128xf32, #tpu.memory_space<vmem_shared>>, %arg11: memref<!tpu.dma_semaphore, #tpu.memory_space<semaphore_mem>>) attributes {dimension_semantics = [#tpu.dimension_semantics<core_parallel>, #tpu.dimension_semantics<subcore_parallel>], iteration_bounds = array<i64: 2, 16>, scalar_prefetch = 0 : i64, scratch_operands = 6 : i64, tpu.core_type = #tpu.core_type<sc_vector_subcore>, window_params = [{transform_indices = #map}, {transform_indices = #map1}, {transform_indices = #map1}, {transform_indices = #map2}]} {
    %mul3A = arith.constant 2 : i32
    %mul3A_0 = arith.muli %arg1, %mul3A : i32
    %add3A = arith.addi %mul3A_0, %arg0 : i32
    %mul3A_1 = arith.constant 10000 : i32
    %mul3A_2 = arith.muli %add3A, %mul3A_1 : i32
    %scan3A = arith.constant 0 : i32
    %scan3A_3 = arith.constant 0 : i32
    %scan3A_4 = arith.constant 512 : i32
    %scan3A_5 = arith.addi %scan3A_3, %scan3A_4 : i32
    %scan3A_6 = arith.constant 1 : i32
    %scan3A_7 = scf.for %scan3A_61 = %scan3A_3 to %scan3A_5 step %scan3A_6 iter_args(%scan3A_62 = %scan3A) -> (i32)  : i32 {
      %jit3A = arith.constant 8 : i32
      %div3A = arith.divsi %scan3A_61, %jit3A : i32
      %sign3A = arith.constant 0 : i32
      %sign3A_63 = arith.cmpi sgt, %scan3A_61, %sign3A : i32
      %sign3A_64 = arith.extui %sign3A_63 : i1 to i32
      %sign3A_65 = arith.constant 0 : i32
      %sign3A_66 = arith.cmpi slt, %scan3A_61, %sign3A_65 : i32
      %sign3A_67 = arith.extui %sign3A_66 : i1 to i32
      %sign3A_68 = arith.subi %sign3A_64, %sign3A_67 : i32
      %sign3A_69 = arith.constant 0 : i32
      %sign3A_70 = arith.cmpi sgt, %jit3A, %sign3A_69 : i32
      %sign3A_71 = arith.extui %sign3A_70 : i1 to i32
      %sign3A_72 = arith.constant 0 : i32
      %sign3A_73 = arith.cmpi slt, %jit3A, %sign3A_72 : i32
      %sign3A_74 = arith.extui %sign3A_73 : i1 to i32
      %sign3A_75 = arith.subi %sign3A_71, %sign3A_74 : i32
      %ne3A = arith.cmpi ne, %sign3A_68, %sign3A_75 : i32
      %rem3A = arith.remsi %scan3A_61, %jit3A : i32
      %ne3A_76 = arith.constant 0 : i32
      %ne3A_77 = arith.cmpi ne, %rem3A, %ne3A_76 : i32
      %and3A = arith.andi %ne3A, %ne3A_77 : i1
      %sub3A = arith.constant 1 : i32
      %sub3A_78 = arith.subi %div3A, %sub3A : i32
      %select_n3A = arith.select %and3A, %sub3A_78, %div3A : i32
      %jit3A_79 = arith.constant 8 : i32
      %eq3A = arith.constant 0 : i32
      %eq3A_80 = arith.cmpi eq, %jit3A_79, %eq3A : i32
      %jit3A_81 = arith.constant 1 : i32
      %select_n3A_82 = arith.select %eq3A_80, %jit3A_81, %jit3A_79 : i32
      %rem3A_83 = arith.remsi %scan3A_61, %select_n3A_82 : i32
      %ne3A_84 = arith.constant 0 : i32
      %ne3A_85 = arith.cmpi ne, %rem3A_83, %ne3A_84 : i32
      %lt3A = arith.constant 0 : i32
      %lt3A_86 = arith.cmpi slt, %rem3A_83, %lt3A : i32
      %lt3A_87 = arith.constant 0 : i32
      %lt3A_88 = arith.cmpi slt, %select_n3A_82, %lt3A_87 : i32
      %ne3A_89 = arith.xori %lt3A_86, %lt3A_88 : i1
      %and3A_90 = arith.andi %ne3A_89, %ne3A_85 : i1
      %add3A_91 = arith.addi %rem3A_83, %select_n3A_82 : i32
      %select_n3A_92 = arith.select %and3A_90, %add3A_91, %rem3A_83 : i32
      %mul3A_93 = arith.constant 16 : i32
      %mul3A_94 = arith.muli %select_n3A_92, %mul3A_93 : i32
      %broadcast_in_dim3A = arith.constant 0.000000e+00 : f32
      %broadcast_in_dim3A_95 = vector.broadcast %broadcast_in_dim3A : f32 to vector<16xf32>
      %swap3A = arith.index_cast %select_n3A : i32 to index
      %swap3A_96 = arith.index_cast %mul3A_94 : i32 to index
      %swap3A_97 = tpu.vector_load %arg9[%swap3A, %swap3A_96] {strides = array<i32>} : memref<64x128xf32, #tpu.memory_space<vmem>>, vector<1x16xf32>,
      %swap3A_98 = vector.shape_cast %swap3A_97 : vector<1x16xf32> to vector<16xf32>
      %swap3A_99 = vector.shape_cast %broadcast_in_dim3A_95 : vector<16xf32> to vector<1x16xf32>
      tpu.vector_store %arg9[%swap3A, %swap3A_96], %swap3A_99 {strides = array<i32>} : memref<64x128xf32, #tpu.memory_space<vmem>>, vector<1x16xf32>,
      %scan3A_100 = arith.constant 0 : i32
      scf.yield %scan3A_100 : i32
    }
    %scan3A_8 = arith.constant 512 : i32
    %mul3A_9 = arith.constant 640 : i32
    %mul3A_10 = arith.muli %arg1, %mul3A_9 : i32
    %add3A_11 = arith.constant 0 : i32
    %add3A_12 = arith.addi %mul3A_10, %add3A_11 : i32
    "tpu.region"() ({
      %run_scoped3A = tpu.sem_alloc : memref<!tpu.dma_semaphore, #tpu.memory_space<semaphore_mem>>
      %dma_start3A = arith.constant 0 : i32
      %dma_start3A_61 = tpu.memref_slice %arg10[%add3A_12, %dma_start3A] : memref<10240x128xf32, #tpu.memory_space<vmem_shared>> -> memref<64x128xf32, #tpu.memory_space<vmem_shared>>
      %dma_start3A_62 = arith.constant 0 : i32
      %dma_start3A_63 = tpu.memref_slice %arg10[%add3A_12, %dma_start3A_62] : memref<10240x128xf32, #tpu.memory_space<vmem_shared>> -> memref<64x128xf32, #tpu.memory_space<vmem_shared>>
      tpu.enqueue_dma source(%arg9 : memref<64x128xf32, #tpu.memory_space<vmem>>) target(%dma_start3A_63 : memref<64x128xf32, #tpu.memory_space<vmem_shared>>) target_semaphore(%run_scoped3A : memref<!tpu.dma_semaphore, #tpu.memory_space<semaphore_mem>>)
      %dma_wait3A = arith.constant 0 : i32
      %dma_wait3A_64 = tpu.memref_slice %arg10[%add3A_12, %dma_wait3A] : memref<10240x128xf32, #tpu.memory_space<vmem_shared>> -> memref<64x128xf32, #tpu.memory_space<vmem_shared>>
      %dma_wait3A_65 = arith.constant 0 : i32
      %dma_wait3A_66 = tpu.memref_slice %arg10[%add3A_12, %dma_wait3A_65] : memref<10240x128xf32, #tpu.memory_space<vmem_shared>> -> memref<64x128xf32, #tpu.memory_space<vmem_shared>>
      tpu.wait_dma2 semaphore(%run_scoped3A : memref<!tpu.dma_semaphore, #tpu.memory_space<semaphore_mem>>) src(%arg9 : memref<64x128xf32, #tpu.memory_space<vmem>>) dst(%dma_wait3A_66 : memref<64x128xf32, #tpu.memory_space<vmem_shared>>)
      tpu.yield
    }) : () -> ()
    %mul3A_13 = arith.constant 640 : i32
    %mul3A_14 = arith.muli %arg1, %mul3A_13 : i32
    %add3A_15 = arith.constant 64 : i32
    %add3A_16 = arith.addi %mul3A_14, %add3A_15 : i32
    "tpu.region"() ({
      %run_scoped3A = tpu.sem_alloc : memref<!tpu.dma_semaphore, #tpu.memory_space<semaphore_mem>>
      %dma_start3A = arith.constant 0 : i32
      %dma_start3A_61 = tpu.memref_slice %arg10[%add3A_16, %dma_start3A] : memref<10240x128xf32, #tpu.memory_space<vmem_shared>> -> memref<64x128xf32, #tpu.memory_space<vmem_shared>>
      %dma_start3A_62 = arith.constant 0 : i32
      %dma_start3A_63 = tpu.memref_slice %arg10[%add3A_16, %dma_start3A_62] : memref<10240x128xf32, #tpu.memory_space<vmem_shared>> -> memref<64x128xf32, #tpu.memory_space<vmem_shared>>
      tpu.enqueue_dma source(%arg9 : memref<64x128xf32, #tpu.memory_space<vmem>>) target(%dma_start3A_63 : memref<64x128xf32, #tpu.memory_space<vmem_shared>>) target_semaphore(%run_scoped3A : memref<!tpu.dma_semaphore, #tpu.memory_space<semaphore_mem>>)
      %dma_wait3A = arith.constant 0 : i32
      %dma_wait3A_64 = tpu.memref_slice %arg10[%add3A_16, %dma_wait3A] : memref<10240x128xf32, #tpu.memory_space<vmem_shared>> -> memref<64x128xf32, #tpu.memory_space<vmem_shared>>
      %dma_wait3A_65 = arith.constant 0 : i32
      %dma_wait3A_66 = tpu.memref_slice %arg10[%add3A_16, %dma_wait3A_65] : memref<10240x128xf32, #tpu.memory_space<vmem_shared>> -> memref<64x128xf32, #tpu.memory_space<vmem_shared>>
      tpu.wait_dma2 semaphore(%run_scoped3A : memref<!tpu.dma_semaphore, #tpu.memory_space<semaphore_mem>>) src(%arg9 : memref<64x128xf32, #tpu.memory_space<vmem>>) dst(%dma_wait3A_66 : memref<64x128xf32, #tpu.memory_space<vmem_shared>>)
      tpu.yield
    }) : () -> ()
    %mul3A_17 = arith.constant 640 : i32
    %mul3A_18 = arith.muli %arg1, %mul3A_17 : i32
    %add3A_19 = arith.constant 128 : i32
    %add3A_20 = arith.addi %mul3A_18, %add3A_19 : i32
    "tpu.region"() ({
      %run_scoped3A = tpu.sem_alloc : memref<!tpu.dma_semaphore, #tpu.memory_space<semaphore_mem>>
      %dma_start3A = arith.constant 0 : i32
      %dma_start3A_61 = tpu.memref_slice %arg10[%add3A_20, %dma_start3A] : memref<10240x128xf32, #tpu.memory_space<vmem_shared>> -> memref<64x128xf32, #tpu.memory_space<vmem_shared>>
      %dma_start3A_62 = arith.constant 0 : i32
      %dma_start3A_63 = tpu.memref_slice %arg10[%add3A_20, %dma_start3A_62] : memref<10240x128xf32, #tpu.memory_space<vmem_shared>> -> memref<64x128xf32, #tpu.memory_space<vmem_shared>>
      tpu.enqueue_dma source(%arg9 : memref<64x128xf32, #tpu.memory_space<vmem>>) target(%dma_start3A_63 : memref<64x128xf32, #tpu.memory_space<vmem_shared>>) target_semaphore(%run_scoped3A : memref<!tpu.dma_semaphore, #tpu.memory_space<semaphore_mem>>)
      %dma_wait3A = arith.constant 0 : i32
      %dma_wait3A_64 = tpu.memref_slice %arg10[%add3A_20, %dma_wait3A] : memref<10240x128xf32, #tpu.memory_space<vmem_shared>> -> memref<64x128xf32, #tpu.memory_space<vmem_shared>>
      %dma_wait3A_65 = arith.constant 0 : i32
      %dma_wait3A_66 = tpu.memref_slice %arg10[%add3A_20, %dma_wait3A_65] : memref<10240x128xf32, #tpu.memory_space<vmem_shared>> -> memref<64x128xf32, #tpu.memory_space<vmem_shared>>
      tpu.wait_dma2 semaphore(%run_scoped3A : memref<!tpu.dma_semaphore, #tpu.memory_space<semaphore_mem>>) src(%arg9 : memref<64x128xf32, #tpu.memory_space<vmem>>) dst(%dma_wait3A_66 : memref<64x128xf32, #tpu.memory_space<vmem_shared>>)
      tpu.yield
    }) : () -> ()
    %mul3A_21 = arith.constant 640 : i32
    %mul3A_22 = arith.muli %arg1, %mul3A_21 : i32
    %add3A_23 = arith.constant 192 : i32
    %add3A_24 = arith.addi %mul3A_22, %add3A_23 : i32
    "tpu.region"() ({
      %run_scoped3A = tpu.sem_alloc : memref<!tpu.dma_semaphore, #tpu.memory_space<semaphore_mem>>
      %dma_start3A = arith.constant 0 : i32
      %dma_start3A_61 = tpu.memref_slice %arg10[%add3A_24, %dma_start3A] : memref<10240x128xf32, #tpu.memory_space<vmem_shared>> -> memref<64x128xf32, #tpu.memory_space<vmem_shared>>
      %dma_start3A_62 = arith.constant 0 : i32
      %dma_start3A_63 = tpu.memref_slice %arg10[%add3A_24, %dma_start3A_62] : memref<10240x128xf32, #tpu.memory_space<vmem_shared>> -> memref<64x128xf32, #tpu.memory_space<vmem_shared>>
      tpu.enqueue_dma source(%arg9 : memref<64x128xf32, #tpu.memory_space<vmem>>) target(%dma_start3A_63 : memref<64x128xf32, #tpu.memory_space<vmem_shared>>) target_semaphore(%run_scoped3A : memref<!tpu.dma_semaphore, #tpu.memory_space<semaphore_mem>>)
      %dma_wait3A = arith.constant 0 : i32
      %dma_wait3A_64 = tpu.memref_slice %arg10[%add3A_24, %dma_wait3A] : memref<10240x128xf32, #tpu.memory_space<vmem_shared>> -> memref<64x128xf32, #tpu.memory_space<vmem_shared>>
      %dma_wait3A_65 = arith.constant 0 : i32
      %dma_wait3A_66 = tpu.memref_slice %arg10[%add3A_24, %dma_wait3A_65] : memref<10240x128xf32, #tpu.memory_space<vmem_shared>> -> memref<64x128xf32, #tpu.memory_space<vmem_shared>>
      tpu.wait_dma2 semaphore(%run_scoped3A : memref<!tpu.dma_semaphore, #tpu.memory_space<semaphore_mem>>) src(%arg9 : memref<64x128xf32, #tpu.memory_space<vmem>>) dst(%dma_wait3A_66 : memref<64x128xf32, #tpu.memory_space<vmem_shared>>)
      tpu.yield
    }) : () -> ()
    %mul3A_25 = arith.constant 640 : i32
    %mul3A_26 = arith.muli %arg1, %mul3A_25 : i32
    %add3A_27 = arith.constant 256 : i32
    %add3A_28 = arith.addi %mul3A_26, %add3A_27 : i32
    "tpu.region"() ({
      %run_scoped3A = tpu.sem_alloc : memref<!tpu.dma_semaphore, #tpu.memory_space<semaphore_mem>>
      %dma_start3A = arith.constant 0 : i32
      %dma_start3A_61 = tpu.memref_slice %arg10[%add3A_28, %dma_start3A] : memref<10240x128xf32, #tpu.memory_space<vmem_shared>> -> memref<64x128xf32, #tpu.memory_space<vmem_shared>>
      %dma_start3A_62 = arith.constant 0 : i32
      %dma_start3A_63 = tpu.memref_slice %arg10[%add3A_28, %dma_start3A_62] : memref<10240x128xf32, #tpu.memory_space<vmem_shared>> -> memref<64x128xf32, #tpu.memory_space<vmem_shared>>
      tpu.enqueue_dma source(%arg9 : memref<64x128xf32, #tpu.memory_space<vmem>>) target(%dma_start3A_63 : memref<64x128xf32, #tpu.memory_space<vmem_shared>>) target_semaphore(%run_scoped3A : memref<!tpu.dma_semaphore, #tpu.memory_space<semaphore_mem>>)
      %dma_wait3A = arith.constant 0 : i32
      %dma_wait3A_64 = tpu.memref_slice %arg10[%add3A_28, %dma_wait3A] : memref<10240x128xf32, #tpu.memory_space<vmem_shared>> -> memref<64x128xf32, #tpu.memory_space<vmem_shared>>
      %dma_wait3A_65 = arith.constant 0 : i32
      %dma_wait3A_66 = tpu.memref_slice %arg10[%add3A_28, %dma_wait3A_65] : memref<10240x128xf32, #tpu.memory_space<vmem_shared>> -> memref<64x128xf32, #tpu.memory_space<vmem_shared>>
      tpu.wait_dma2 semaphore(%run_scoped3A : memref<!tpu.dma_semaphore, #tpu.memory_space<semaphore_mem>>) src(%arg9 : memref<64x128xf32, #tpu.memory_space<vmem>>) dst(%dma_wait3A_66 : memref<64x128xf32, #tpu.memory_space<vmem_shared>>)
      tpu.yield
    }) : () -> ()
    %mul3A_29 = arith.constant 640 : i32
    %mul3A_30 = arith.muli %arg1, %mul3A_29 : i32
    %add3A_31 = arith.constant 320 : i32
    %add3A_32 = arith.addi %mul3A_30, %add3A_31 : i32
    "tpu.region"() ({
      %run_scoped3A = tpu.sem_alloc : memref<!tpu.dma_semaphore, #tpu.memory_space<semaphore_mem>>
      %dma_start3A = arith.constant 0 : i32
      %dma_start3A_61 = tpu.memref_slice %arg10[%add3A_32, %dma_start3A] : memref<10240x128xf32, #tpu.memory_space<vmem_shared>> -> memref<64x128xf32, #tpu.memory_space<vmem_shared>>
      %dma_start3A_62 = arith.constant 0 : i32
      %dma_start3A_63 = tpu.memref_slice %arg10[%add3A_32, %dma_start3A_62] : memref<10240x128xf32, #tpu.memory_space<vmem_shared>> -> memref<64x128xf32, #tpu.memory_space<vmem_shared>>
      tpu.enqueue_dma source(%arg9 : memref<64x128xf32, #tpu.memory_space<vmem>>) target(%dma_start3A_63 : memref<64x128xf32, #tpu.memory_space<vmem_shared>>) target_semaphore(%run_scoped3A : memref<!tpu.dma_semaphore, #tpu.memory_space<semaphore_mem>>)
      %dma_wait3A = arith.constant 0 : i32
      %dma_wait3A_64 = tpu.memref_slice %arg10[%add3A_32, %dma_wait3A] : memref<10240x128xf32, #tpu.memory_space<vmem_shared>> -> memref<64x128xf32, #tpu.memory_space<vmem_shared>>
      %dma_wait3A_65 = arith.constant 0 : i32
      %dma_wait3A_66 = tpu.memref_slice %arg10[%add3A_32, %dma_wait3A_65] : memref<10240x128xf32, #tpu.memory_space<vmem_shared>> -> memref<64x128xf32, #tpu.memory_space<vmem_shared>>
      tpu.wait_dma2 semaphore(%run_scoped3A : memref<!tpu.dma_semaphore, #tpu.memory_space<semaphore_mem>>) src(%arg9 : memref<64x128xf32, #tpu.memory_space<vmem>>) dst(%dma_wait3A_66 : memref<64x128xf32, #tpu.memory_space<vmem_shared>>)
      tpu.yield
    }) : () -> ()
    %mul3A_33 = arith.constant 640 : i32
    %mul3A_34 = arith.muli %arg1, %mul3A_33 : i32
    %add3A_35 = arith.constant 384 : i32
    %add3A_36 = arith.addi %mul3A_34, %add3A_35 : i32
    "tpu.region"() ({
      %run_scoped3A = tpu.sem_alloc : memref<!tpu.dma_semaphore, #tpu.memory_space<semaphore_mem>>
      %dma_start3A = arith.constant 0 : i32
      %dma_start3A_61 = tpu.memref_slice %arg10[%add3A_36, %dma_start3A] : memref<10240x128xf32, #tpu.memory_space<vmem_shared>> -> memref<64x128xf32, #tpu.memory_space<vmem_shared>>
      %dma_start3A_62 = arith.constant 0 : i32
      %dma_start3A_63 = tpu.memref_slice %arg10[%add3A_36, %dma_start3A_62] : memref<10240x128xf32, #tpu.memory_space<vmem_shared>> -> memref<64x128xf32, #tpu.memory_space<vmem_shared>>
      tpu.enqueue_dma source(%arg9 : memref<64x128xf32, #tpu.memory_space<vmem>>) target(%dma_start3A_63 : memref<64x128xf32, #tpu.memory_space<vmem_shared>>) target_semaphore(%run_scoped3A : memref<!tpu.dma_semaphore, #tpu.memory_space<semaphore_mem>>)
      %dma_wait3A = arith.constant 0 : i32
      %dma_wait3A_64 = tpu.memref_slice %arg10[%add3A_36, %dma_wait3A] : memref<10240x128xf32, #tpu.memory_space<vmem_shared>> -> memref<64x128xf32, #tpu.memory_space<vmem_shared>>
      %dma_wait3A_65 = arith.constant 0 : i32
      %dma_wait3A_66 = tpu.memref_slice %arg10[%add3A_36, %dma_wait3A_65] : memref<10240x128xf32, #tpu.memory_space<vmem_shared>> -> memref<64x128xf32, #tpu.memory_space<vmem_shared>>
      tpu.wait_dma2 semaphore(%run_scoped3A : memref<!tpu.dma_semaphore, #tpu.memory_space<semaphore_mem>>) src(%arg9 : memref<64x128xf32, #tpu.memory_space<vmem>>) dst(%dma_wait3A_66 : memref<64x128xf32, #tpu.memory_space<vmem_shared>>)
      tpu.yield
    }) : () -> ()
    %mul3A_37 = arith.constant 640 : i32
    %mul3A_38 = arith.muli %arg1, %mul3A_37 : i32
    %add3A_39 = arith.constant 448 : i32
    %add3A_40 = arith.addi %mul3A_38, %add3A_39 : i32
    "tpu.region"() ({
      %run_scoped3A = tpu.sem_alloc : memref<!tpu.dma_semaphore, #tpu.memory_space<semaphore_mem>>
      %dma_start3A = arith.constant 0 : i32
      %dma_start3A_61 = tpu.memref_slice %arg10[%add3A_40, %dma_start3A] : memref<10240x128xf32, #tpu.memory_space<vmem_shared>> -> memref<64x128xf32, #tpu.memory_space<vmem_shared>>
      %dma_start3A_62 = arith.constant 0 : i32
      %dma_start3A_63 = tpu.memref_slice %arg10[%add3A_40, %dma_start3A_62] : memref<10240x128xf32, #tpu.memory_space<vmem_shared>> -> memref<64x128xf32, #tpu.memory_space<vmem_shared>>
      tpu.enqueue_dma source(%arg9 : memref<64x128xf32, #tpu.memory_space<vmem>>) target(%dma_start3A_63 : memref<64x128xf32, #tpu.memory_space<vmem_shared>>) target_semaphore(%run_scoped3A : memref<!tpu.dma_semaphore, #tpu.memory_space<semaphore_mem>>)
      %dma_wait3A = arith.constant 0 : i32
      %dma_wait3A_64 = tpu.memref_slice %arg10[%add3A_40, %dma_wait3A] : memref<10240x128xf32, #tpu.memory_space<vmem_shared>> -> memref<64x128xf32, #tpu.memory_space<vmem_shared>>
      %dma_wait3A_65 = arith.constant 0 : i32
      %dma_wait3A_66 = tpu.memref_slice %arg10[%add3A_40, %dma_wait3A_65] : memref<10240x128xf32, #tpu.memory_space<vmem_shared>> -> memref<64x128xf32, #tpu.memory_space<vmem_shared>>
      tpu.wait_dma2 semaphore(%run_scoped3A : memref<!tpu.dma_semaphore, #tpu.memory_space<semaphore_mem>>) src(%arg9 : memref<64x128xf32, #tpu.memory_space<vmem>>) dst(%dma_wait3A_66 : memref<64x128xf32, #tpu.memory_space<vmem_shared>>)
      tpu.yield
    }) : () -> ()
    %mul3A_41 = arith.constant 640 : i32
    %mul3A_42 = arith.muli %arg1, %mul3A_41 : i32
    %add3A_43 = arith.constant 512 : i32
    %add3A_44 = arith.addi %mul3A_42, %add3A_43 : i32
    "tpu.region"() ({
      %run_scoped3A = tpu.sem_alloc : memref<!tpu.dma_semaphore, #tpu.memory_space<semaphore_mem>>
      %dma_start3A = arith.constant 0 : i32
      %dma_start3A_61 = tpu.memref_slice %arg10[%add3A_44, %dma_start3A] : memref<10240x128xf32, #tpu.memory_space<vmem_shared>> -> memref<64x128xf32, #tpu.memory_space<vmem_shared>>
      %dma_start3A_62 = arith.constant 0 : i32
      %dma_start3A_63 = tpu.memref_slice %arg10[%add3A_44, %dma_start3A_62] : memref<10240x128xf32, #tpu.memory_space<vmem_shared>> -> memref<64x128xf32, #tpu.memory_space<vmem_shared>>
      tpu.enqueue_dma source(%arg9 : memref<64x128xf32, #tpu.memory_space<vmem>>) target(%dma_start3A_63 : memref<64x128xf32, #tpu.memory_space<vmem_shared>>) target_semaphore(%run_scoped3A : memref<!tpu.dma_semaphore, #tpu.memory_space<semaphore_mem>>)
      %dma_wait3A = arith.constant 0 : i32
      %dma_wait3A_64 = tpu.memref_slice %arg10[%add3A_44, %dma_wait3A] : memref<10240x128xf32, #tpu.memory_space<vmem_shared>> -> memref<64x128xf32, #tpu.memory_space<vmem_shared>>
      %dma_wait3A_65 = arith.constant 0 : i32
      %dma_wait3A_66 = tpu.memref_slice %arg10[%add3A_44, %dma_wait3A_65] : memref<10240x128xf32, #tpu.memory_space<vmem_shared>> -> memref<64x128xf32, #tpu.memory_space<vmem_shared>>
      tpu.wait_dma2 semaphore(%run_scoped3A : memref<!tpu.dma_semaphore, #tpu.memory_space<semaphore_mem>>) src(%arg9 : memref<64x128xf32, #tpu.memory_space<vmem>>) dst(%dma_wait3A_66 : memref<64x128xf32, #tpu.memory_space<vmem_shared>>)
      tpu.yield
    }) : () -> ()
    %mul3A_45 = arith.constant 640 : i32
    %mul3A_46 = arith.muli %arg1, %mul3A_45 : i32
    %add3A_47 = arith.constant 576 : i32
    %add3A_48 = arith.addi %mul3A_46, %add3A_47 : i32
    "tpu.region"() ({
      %run_scoped3A = tpu.sem_alloc : memref<!tpu.dma_semaphore, #tpu.memory_space<semaphore_mem>>
      %dma_start3A = arith.constant 0 : i32
      %dma_start3A_61 = tpu.memref_slice %arg10[%add3A_48, %dma_start3A] : memref<10240x128xf32, #tpu.memory_space<vmem_shared>> -> memref<64x128xf32, #tpu.memory_space<vmem_shared>>
      %dma_start3A_62 = arith.constant 0 : i32
      %dma_start3A_63 = tpu.memref_slice %arg10[%add3A_48, %dma_start3A_62] : memref<10240x128xf32, #tpu.memory_space<vmem_shared>> -> memref<64x128xf32, #tpu.memory_space<vmem_shared>>
      tpu.enqueue_dma source(%arg9 : memref<64x128xf32, #tpu.memory_space<vmem>>) target(%dma_start3A_63 : memref<64x128xf32, #tpu.memory_space<vmem_shared>>) target_semaphore(%run_scoped3A : memref<!tpu.dma_semaphore, #tpu.memory_space<semaphore_mem>>)
      %dma_wait3A = arith.constant 0 : i32
      %dma_wait3A_64 = tpu.memref_slice %arg10[%add3A_48, %dma_wait3A] : memref<10240x128xf32, #tpu.memory_space<vmem_shared>> -> memref<64x128xf32, #tpu.memory_space<vmem_shared>>
      %dma_wait3A_65 = arith.constant 0 : i32
      %dma_wait3A_66 = tpu.memref_slice %arg10[%add3A_48, %dma_wait3A_65] : memref<10240x128xf32, #tpu.memory_space<vmem_shared>> -> memref<64x128xf32, #tpu.memory_space<vmem_shared>>
      tpu.wait_dma2 semaphore(%run_scoped3A : memref<!tpu.dma_semaphore, #tpu.memory_space<semaphore_mem>>) src(%arg9 : memref<64x128xf32, #tpu.memory_space<vmem>>) dst(%dma_wait3A_66 : memref<64x128xf32, #tpu.memory_space<vmem_shared>>)
      tpu.yield
    }) : () -> ()
    %barrier3A = arith.constant 0 : index
    tpu.barrier barrier_id(%barrier3A)
    %scan3A_49 = arith.constant 0 : i32
    %scan3A_50 = arith.constant 0 : i32
    %scan3A_51 = arith.constant 50 : i32
    %scan3A_52 = arith.addi %scan3A_50, %scan3A_51 : i32
    %scan3A_53 = arith.constant 1 : i32
    %scan3A_54 = scf.for %scan3A_61 = %scan3A_50 to %scan3A_52 step %scan3A_53 iter_args(%scan3A_62 = %scan3A_49) -> (i32)  : i32 {
      %mul3A_63 = arith.constant 200 : i32
      %mul3A_64 = arith.muli %scan3A_61, %mul3A_63 : i32
      %add3A_65 = arith.addi %mul3A_2, %mul3A_64 : i32
      "tpu.region"() ({
        %run_scoped3A = tpu.sem_alloc : memref<!tpu.dma_semaphore, #tpu.memory_space<semaphore_mem>>
        %dma_start3A_74 = tpu.memref_slice %arg3[%add3A_65] : memref<320000xi32, #tpu.memory_space<hbm>> -> memref<200xi32, #tpu.memory_space<hbm>>
        %dma_start3A_75 = tpu.memref_slice %arg3[%add3A_65] : memref<320000xi32, #tpu.memory_space<hbm>> -> memref<200xi32, #tpu.memory_space<hbm>>
        tpu.enqueue_dma source(%dma_start3A_75 : memref<200xi32, #tpu.memory_space<hbm>>) target(%arg6 : memref<200xi32, #tpu.memory_space<vmem>>) target_semaphore(%run_scoped3A : memref<!tpu.dma_semaphore, #tpu.memory_space<semaphore_mem>>)
        %dma_wait3A_76 = tpu.memref_slice %arg3[%add3A_65] : memref<320000xi32, #tpu.memory_space<hbm>> -> memref<200xi32, #tpu.memory_space<hbm>>
        %dma_wait3A_77 = tpu.memref_slice %arg3[%add3A_65] : memref<320000xi32, #tpu.memory_space<hbm>> -> memref<200xi32, #tpu.memory_space<hbm>>
        tpu.wait_dma2 semaphore(%run_scoped3A : memref<!tpu.dma_semaphore, #tpu.memory_space<semaphore_mem>>) src(%dma_wait3A_77 : memref<200xi32, #tpu.memory_space<hbm>>) dst(%arg6 : memref<200xi32, #tpu.memory_space<vmem>>)
        tpu.yield
      }) : () -> ()
      %mul3A_66 = arith.constant 200 : i32
      %mul3A_67 = arith.muli %scan3A_61, %mul3A_66 : i32
      %add3A_68 = arith.addi %mul3A_2, %mul3A_67 : i32
      "tpu.region"() ({
        %run_scoped3A = tpu.sem_alloc : memref<!tpu.dma_semaphore, #tpu.memory_space<semaphore_mem>>
        %dma_start3A_74 = tpu.memref_slice %arg4[%add3A_68] : memref<320000xi32, #tpu.memory_space<hbm>> -> memref<200xi32, #tpu.memory_space<hbm>>
        %dma_start3A_75 = tpu.memref_slice %arg4[%add3A_68] : memref<320000xi32, #tpu.memory_space<hbm>> -> memref<200xi32, #tpu.memory_space<hbm>>
        tpu.enqueue_dma source(%dma_start3A_75 : memref<200xi32, #tpu.memory_space<hbm>>) target(%arg7 : memref<200xi32, #tpu.memory_space<vmem>>) target_semaphore(%run_scoped3A : memref<!tpu.dma_semaphore, #tpu.memory_space<semaphore_mem>>)
        %dma_wait3A_76 = tpu.memref_slice %arg4[%add3A_68] : memref<320000xi32, #tpu.memory_space<hbm>> -> memref<200xi32, #tpu.memory_space<hbm>>
        %dma_wait3A_77 = tpu.memref_slice %arg4[%add3A_68] : memref<320000xi32, #tpu.memory_space<hbm>> -> memref<200xi32, #tpu.memory_space<hbm>>
        tpu.wait_dma2 semaphore(%run_scoped3A : memref<!tpu.dma_semaphore, #tpu.memory_space<semaphore_mem>>) src(%dma_wait3A_77 : memref<200xi32, #tpu.memory_space<hbm>>) dst(%arg7 : memref<200xi32, #tpu.memory_space<vmem>>)
        tpu.yield
      }) : () -> ()
      %dma_start3A = arith.constant 0 : i32
      %dma_start3A_69 = arith.constant 0 : i32
      %dma_start3A_70 = tpu.memref_slice %arg2[%dma_start3A, %dma_start3A_69] : memref<10000x128xf32, #tpu.memory_space<hbm>> -> memref<10000x128xf32, #tpu.memory_space<hbm>>
      tpu.enqueue_indirect_dma source(%dma_start3A_70 : memref<10000x128xf32, #tpu.memory_space<hbm>>) target(%arg8 : memref<200x128xf32, #tpu.memory_space<vmem>>) offsets(%arg6 : memref<200xi32, #tpu.memory_space<vmem>>) semaphore(%arg11 : memref<!tpu.dma_semaphore, #tpu.memory_space<semaphore_mem>>)
      %dma_wait3A = arith.constant 0 : i32
      %dma_wait3A_71 = arith.constant 0 : i32
      %dma_wait3A_72 = tpu.memref_slice %arg2[%dma_wait3A, %dma_wait3A_71] : memref<10000x128xf32, #tpu.memory_space<hbm>> -> memref<10000x128xf32, #tpu.memory_space<hbm>>
      tpu.wait_indirect_dma semaphore(%arg11 : memref<!tpu.dma_semaphore, #tpu.memory_space<semaphore_mem>>) src(%dma_wait3A_72 : memref<10000x128xf32, #tpu.memory_space<hbm>>) dst(%arg8 : memref<200x128xf32, #tpu.memory_space<vmem>>)
      "tpu.region"() ({
        %run_scoped3A = tpu.sem_alloc : memref<!tpu.dma_semaphore, #tpu.memory_space<semaphore_mem>>
        %dma_start3A_74 = arith.constant 0 : i32
        %dma_start3A_75 = arith.constant 0 : i32
        %dma_start3A_76 = tpu.memref_slice %arg10[%dma_start3A_74, %dma_start3A_75] : memref<10240x128xf32, #tpu.memory_space<vmem_shared>> -> memref<10240x128xf32, #tpu.memory_space<vmem_shared>>
        tpu.enqueue_indirect_dma source(%arg8 : memref<200x128xf32, #tpu.memory_space<vmem>>) target(%dma_start3A_76 : memref<10240x128xf32, #tpu.memory_space<vmem_shared>>) offsets(%arg7 : memref<200xi32, #tpu.memory_space<vmem>>) semaphore(%run_scoped3A : memref<!tpu.dma_semaphore, #tpu.memory_space<semaphore_mem>>) {add = true}
        %dma_wait3A_77 = arith.constant 0 : i32
        %dma_wait3A_78 = arith.constant 0 : i32
        %dma_wait3A_79 = tpu.memref_slice %arg10[%dma_wait3A_77, %dma_wait3A_78] : memref<10240x128xf32, #tpu.memory_space<vmem_shared>> -> memref<10240x128xf32, #tpu.memory_space<vmem_shared>>
        tpu.wait_indirect_dma semaphore(%run_scoped3A : memref<!tpu.dma_semaphore, #tpu.memory_space<semaphore_mem>>) src(%arg8 : memref<200x128xf32, #tpu.memory_space<vmem>>) dst(%dma_wait3A_79 : memref<10240x128xf32, #tpu.memory_space<vmem_shared>>)
        tpu.yield
      }) : () -> ()
      %scan3A_73 = arith.constant 0 : i32
      scf.yield %scan3A_73 : i32
    }
    %scan3A_55 = arith.constant 50 : i32
    %barrier3A_56 = arith.constant 0 : index
    tpu.barrier barrier_id(%barrier3A_56)
    %mul3A_57 = arith.constant 640 : i32
    %mul3A_58 = arith.muli %arg1, %mul3A_57 : i32
    %mul3A_59 = arith.constant 640 : i32
    %mul3A_60 = arith.muli %arg1, %mul3A_59 : i32
    "tpu.region"() ({
      %run_scoped3A = tpu.sem_alloc : memref<!tpu.dma_semaphore, #tpu.memory_space<semaphore_mem>>
      %dma_start3A = arith.constant 0 : i32
      %dma_start3A_61 = tpu.memref_slice %arg5[%arg0, %mul3A_60, %dma_start3A] : memref<2x10240x128xf32, #tpu.memory_space<hbm>> -> memref<1x640x128xf32, #tpu.memory_space<hbm>>
      %dma_start3A_62 = tpu.memref_squeeze %dma_start3A_61 : memref<1x640x128xf32, #tpu.memory_space<hbm>> -> memref<640x128xf32, #tpu.memory_space<hbm>>
      %dma_start3A_63 = arith.constant 0 : i32
      %dma_start3A_64 = tpu.memref_slice %arg10[%mul3A_58, %dma_start3A_63] : memref<10240x128xf32, #tpu.memory_space<vmem_shared>> -> memref<640x128xf32, #tpu.memory_space<vmem_shared>>
      tpu.enqueue_dma source(%dma_start3A_64 : memref<640x128xf32, #tpu.memory_space<vmem_shared>>) target(%dma_start3A_62 : memref<640x128xf32, #tpu.memory_space<hbm>>) target_semaphore(%run_scoped3A : memref<!tpu.dma_semaphore, #tpu.memory_space<semaphore_mem>>)
      %dma_wait3A = arith.constant 0 : i32
      %dma_wait3A_65 = tpu.memref_slice %arg5[%arg0, %mul3A_60, %dma_wait3A] : memref<2x10240x128xf32, #tpu.memory_space<hbm>> -> memref<1x640x128xf32, #tpu.memory_space<hbm>>
      %dma_wait3A_66 = tpu.memref_squeeze %dma_wait3A_65 : memref<1x640x128xf32, #tpu.memory_space<hbm>> -> memref<640x128xf32, #tpu.memory_space<hbm>>
      %dma_wait3A_67 = arith.constant 0 : i32
      %dma_wait3A_68 = tpu.memref_slice %arg10[%mul3A_58, %dma_wait3A_67] : memref<10240x128xf32, #tpu.memory_space<vmem_shared>> -> memref<640x128xf32, #tpu.memory_space<vmem_shared>>
      tpu.wait_dma2 semaphore(%run_scoped3A : memref<!tpu.dma_semaphore, #tpu.memory_space<semaphore_mem>>) src(%dma_wait3A_68 : memref<640x128xf32, #tpu.memory_space<vmem_shared>>) dst(%dma_wait3A_66 : memref<640x128xf32, #tpu.memory_space<hbm>>)
      tpu.yield
    }) : () -> ()
    return
  }
}

module attributes {stable_mosaic.version = 14 : i64} {
  func.func @_k1_body(%arg0: i32, %arg1: memref<400x128xf32, #tpu.memory_space<vmem>>, %arg2: memref<128x128xf32, #tpu.memory_space<vmem>>, %arg3: memref<400x2xf32, #tpu.memory_space<vmem>>, %arg4: memref<400x128xf32, #tpu.memory_space<vmem>>) attributes {dimension_semantics = [#tpu.dimension_semantics<arbitrary>], iteration_bounds = array<i64: 25>, scalar_prefetch = 0 : i64, scratch_operands = 0 : i64, tpu.core_type = #tpu.core_type<tc>, window_params = [{transform_indices = @transform_0, window_bounds = array<i64: 400, 128>}, {pipeline_mode = #tpu.pipeline_mode<synchronous>, transform_indices = @transform_1, window_bounds = array<i64: 128, 128>}, {transform_indices = @transform_2, window_bounds = array<i64: 400, 2>}, {transform_indices = @transform_3, window_bounds = array<i64: 400, 128>}]} {
    %get3A = arith.constant 0 : index
    %get3A_0 = arith.constant 0 : index
    %get3A_1 = vector.load %arg3[%get3A, %get3A_0] : memref<400x2xf32, #tpu.memory_space<vmem>>, vector<400x1xf32>
    %get3A_2 = vector.shape_cast %get3A_1 : vector<400x1xf32> to vector<400xf32>
    %get3A_3 = arith.constant 0 : index
    %get3A_4 = arith.constant 1 : index
    %get3A_5 = vector.load %arg3[%get3A_3, %get3A_4] : memref<400x2xf32, #tpu.memory_space<vmem>>, vector<400x1xf32>
    %get3A_6 = vector.shape_cast %get3A_5 : vector<400x1xf32> to vector<400xf32>
    %add3A = arith.addf %get3A_2, %get3A_6 : vector<400xf32>
    %add3A_7 = arith.constant 1.000000e+00 : f32
    %add3A_8 = vector.broadcast %add3A_7 : f32 to vector<400xf32>
    %add3A_9 = arith.addf %add3A, %add3A_8 : vector<400xf32>
    %rsqrt3A = math.rsqrt %add3A_9 : vector<400xf32>
    %get3A_10 = arith.constant 0 : index
    %get3A_11 = arith.constant 0 : index
    %get3A_12 = vector.load %arg1[%get3A_10, %get3A_11] : memref<400x128xf32, #tpu.memory_space<vmem>>, vector<400x128xf32>
    %get3A_13 = arith.constant 0 : index
    %get3A_14 = arith.constant 0 : index
    %get3A_15 = vector.load %arg2[%get3A_13, %get3A_14] : memref<128x128xf32, #tpu.memory_space<vmem>>, vector<128x128xf32>
    %dot_general3A = arith.constant dense<0.000000e+00> : vector<400x128xf32>
    %dot_general3A_16 = tpu.matmul %get3A_12, %get3A_15, %dot_general3A {dimension_numbers = #tpu.dot_dimension_numbers<[1], [0], [0], [1], [0, 0, 1, 1], [], []>, precision = #tpu.contract_precision<fp32>, transpose_lhs_hint = false} : vector<400x128xf32>, vector<128x128xf32>, vector<400x128xf32> -> vector<400x128xf32>
    %broadcast_in_dim3A = vector.shape_cast %rsqrt3A : vector<400xf32> to vector<400x1xf32>
    %mul3A = vector.broadcast %broadcast_in_dim3A : vector<400x1xf32> to vector<400x128xf32>
    %mul3A_17 = arith.mulf %dot_general3A_16, %mul3A : vector<400x128xf32>
    %swap3A = arith.constant 0 : index
    %swap3A_18 = arith.constant 0 : index
    %swap3A_19 = vector.load %arg4[%swap3A, %swap3A_18] : memref<400x128xf32, #tpu.memory_space<vmem>>, vector<400x128xf32>
    tpu.vector_store %arg4[%swap3A, %swap3A_18], %mul3A_17 {strides = array<i32>} : memref<400x128xf32, #tpu.memory_space<vmem>>, vector<400x128xf32>,
    return
  }
  func.func @transform_0(%arg0: i32) -> (i32, i32) {
    %c0_i32 = arith.constant 0 : i32
    %c0_i32_0 = arith.constant 0 : i32
    return %arg0, %c0_i32 : i32, i32
  }
  func.func @transform_1(%arg0: i32) -> (i32, i32) {
    %c0_i32 = arith.constant 0 : i32
    %c0_i32_0 = arith.constant 0 : i32
    %c0_i32_1 = arith.constant 0 : i32
    return %c0_i32, %c0_i32_0 : i32, i32
  }
  func.func @transform_2(%arg0: i32) -> (i32, i32) {
    %c0_i32 = arith.constant 0 : i32
    %c0_i32_0 = arith.constant 0 : i32
    return %arg0, %c0_i32 : i32, i32
  }
  func.func @transform_3(%arg0: i32) -> (i32, i32) {
    %c0_i32 = arith.constant 0 : i32
    %c0_i32_0 = arith.constant 0 : i32
    return %arg0, %c0_i32 : i32, i32
  }
}

module attributes {stable_mosaic.version = 14 : i64} {
  func.func @_k3_body(%arg0: i32, %arg1: memref<2x400x128xf32, #tpu.memory_space<vmem>>, %arg2: memref<400x128xf32, #tpu.memory_space<vmem>>, %arg3: memref<400x2xf32, #tpu.memory_space<vmem>>, %arg4: memref<128x128xf32, #tpu.memory_space<vmem>>, %arg5: memref<1x128xf32, #tpu.memory_space<vmem>>, %arg6: memref<400x128xf32, #tpu.memory_space<vmem>>) attributes {dimension_semantics = [#tpu.dimension_semantics<arbitrary>], iteration_bounds = array<i64: 25>, scalar_prefetch = 0 : i64, scratch_operands = 0 : i64, tpu.core_type = #tpu.core_type<tc>, window_params = [{transform_indices = @transform_0, window_bounds = array<i64: 2, 400, 128>}, {transform_indices = @transform_1, window_bounds = array<i64: 400, 128>}, {transform_indices = @transform_2, window_bounds = array<i64: 400, 2>}, {pipeline_mode = #tpu.pipeline_mode<synchronous>, transform_indices = @transform_3, window_bounds = array<i64: 128, 128>}, {pipeline_mode = #tpu.pipeline_mode<synchronous>, transform_indices = @transform_4, window_bounds = array<i64: 1, 128>}, {transform_indices = @transform_5, window_bounds = array<i64: 400, 128>}]} {
    %get3A = arith.constant 0 : index
    %get3A_0 = arith.constant 0 : index
    %get3A_1 = vector.load %arg3[%get3A, %get3A_0] : memref<400x2xf32, #tpu.memory_space<vmem>>, vector<400x1xf32>
    %get3A_2 = vector.shape_cast %get3A_1 : vector<400x1xf32> to vector<400xf32>
    %get3A_3 = arith.constant 0 : index
    %get3A_4 = arith.constant 1 : index
    %get3A_5 = vector.load %arg3[%get3A_3, %get3A_4] : memref<400x2xf32, #tpu.memory_space<vmem>>, vector<400x1xf32>
    %get3A_6 = vector.shape_cast %get3A_5 : vector<400x1xf32> to vector<400xf32>
    %add3A = arith.addf %get3A_2, %get3A_6 : vector<400xf32>
    %add3A_7 = arith.constant 1.000000e+00 : f32
    %add3A_8 = vector.broadcast %add3A_7 : f32 to vector<400xf32>
    %add3A_9 = arith.addf %add3A, %add3A_8 : vector<400xf32>
    %rsqrt3A = math.rsqrt %add3A_9 : vector<400xf32>
    %broadcast_in_dim3A = vector.shape_cast %rsqrt3A : vector<400xf32> to vector<400x1xf32>
    %get3A_10 = arith.constant 0 : index
    %get3A_11 = arith.constant 0 : index
    %get3A_12 = arith.constant 0 : index
    %get3A_13 = vector.load %arg1[%get3A_10, %get3A_11, %get3A_12] : memref<2x400x128xf32, #tpu.memory_space<vmem>>, vector<1x400x128xf32>
    %get3A_14 = vector.shape_cast %get3A_13 : vector<1x400x128xf32> to vector<400x128xf32>
    %get3A_15 = arith.constant 1 : index
    %get3A_16 = arith.constant 0 : index
    %get3A_17 = arith.constant 0 : index
    %get3A_18 = vector.load %arg1[%get3A_15, %get3A_16, %get3A_17] : memref<2x400x128xf32, #tpu.memory_space<vmem>>, vector<1x400x128xf32>
    %get3A_19 = vector.shape_cast %get3A_18 : vector<1x400x128xf32> to vector<400x128xf32>
    %add3A_20 = arith.addf %get3A_14, %get3A_19 : vector<400x128xf32>
    %get3A_21 = arith.constant 0 : index
    %get3A_22 = arith.constant 0 : index
    %get3A_23 = vector.load %arg2[%get3A_21, %get3A_22] : memref<400x128xf32, #tpu.memory_space<vmem>>, vector<400x128xf32>
    %add3A_24 = arith.addf %add3A_20, %get3A_23 : vector<400x128xf32>
    %mul3A = vector.broadcast %broadcast_in_dim3A : vector<400x1xf32> to vector<400x128xf32>
    %mul3A_25 = arith.mulf %mul3A, %add3A_24 : vector<400x128xf32>
    %get3A_26 = arith.constant 0 : index
    %get3A_27 = arith.constant 0 : index
    %get3A_28 = vector.load %arg5[%get3A_26, %get3A_27] : memref<1x128xf32, #tpu.memory_space<vmem>>, vector<1x128xf32>
    %add3A_29 = vector.broadcast %get3A_28 : vector<1x128xf32> to vector<400x128xf32>
    %add3A_30 = arith.addf %mul3A_25, %add3A_29 : vector<400x128xf32>
    %max3A = arith.constant 0.000000e+00 : f32
    %max3A_31 = vector.broadcast %max3A : f32 to vector<400x128xf32>
    %max3A_32 = arith.maximumf %add3A_30, %max3A_31 : vector<400x128xf32>
    %get3A_33 = arith.constant 0 : index
    %get3A_34 = arith.constant 0 : index
    %get3A_35 = vector.load %arg4[%get3A_33, %get3A_34] : memref<128x128xf32, #tpu.memory_space<vmem>>, vector<128x128xf32>
    %dot_general3A = arith.constant dense<0.000000e+00> : vector<400x128xf32>
    %dot_general3A_36 = tpu.matmul %max3A_32, %get3A_35, %dot_general3A {dimension_numbers = #tpu.dot_dimension_numbers<[1], [0], [0], [1], [0, 0, 1, 1], [], []>, precision = #tpu.contract_precision<fp32>, transpose_lhs_hint = false} : vector<400x128xf32>, vector<128x128xf32>, vector<400x128xf32> -> vector<400x128xf32>
    %mul3A_37 = vector.broadcast %broadcast_in_dim3A : vector<400x1xf32> to vector<400x128xf32>
    %mul3A_38 = arith.mulf %dot_general3A_36, %mul3A_37 : vector<400x128xf32>
    %swap3A = arith.constant 0 : index
    %swap3A_39 = arith.constant 0 : index
    %swap3A_40 = vector.load %arg6[%swap3A, %swap3A_39] : memref<400x128xf32, #tpu.memory_space<vmem>>, vector<400x128xf32>
    tpu.vector_store %arg6[%swap3A, %swap3A_39], %mul3A_38 {strides = array<i32>} : memref<400x128xf32, #tpu.memory_space<vmem>>, vector<400x128xf32>,
    return
  }
  func.func @transform_0(%arg0: i32) -> (i32, i32, i32) {
    %c0_i32 = arith.constant 0 : i32
    %c0_i32_0 = arith.constant 0 : i32
    %c0_i32_1 = arith.constant 0 : i32
    return %c0_i32, %arg0, %c0_i32_0 : i32, i32, i32
  }
  func.func @transform_1(%arg0: i32) -> (i32, i32) {
    %c0_i32 = arith.constant 0 : i32
    %c0_i32_0 = arith.constant 0 : i32
    return %arg0, %c0_i32 : i32, i32
  }
  func.func @transform_2(%arg0: i32) -> (i32, i32) {
    %c0_i32 = arith.constant 0 : i32
    %c0_i32_0 = arith.constant 0 : i32
    return %arg0, %c0_i32 : i32, i32
  }
  func.func @transform_3(%arg0: i32) -> (i32, i32) {
    %c0_i32 = arith.constant 0 : i32
    %c0_i32_0 = arith.constant 0 : i32
    %c0_i32_1 = arith.constant 0 : i32
    return %c0_i32, %c0_i32_0 : i32, i32
  }
  func.func @transform_4(%arg0: i32) -> (i32, i32) {
    %c0_i32 = arith.constant 0 : i32
    %c0_i32_0 = arith.constant 0 : i32
    %c0_i32_1 = arith.constant 0 : i32
    return %c0_i32, %c0_i32_0 : i32, i32
  }
  func.func @transform_5(%arg0: i32) -> (i32, i32) {
    %c0_i32 = arith.constant 0 : i32
    %c0_i32_0 = arith.constant 0 : i32
    return %arg0, %c0_i32 : i32, i32
  }
}

module attributes {stable_mosaic.version = 14 : i64} {
  func.func @_k5_body(%arg0: i32, %arg1: memref<2x400x128xf32, #tpu.memory_space<vmem>>, %arg2: memref<400x128xf32, #tpu.memory_space<vmem>>, %arg3: memref<400x2xf32, #tpu.memory_space<vmem>>, %arg4: memref<1x128xf32, #tpu.memory_space<vmem>>, %arg5: memref<128x128xf32, #tpu.memory_space<vmem>>, %arg6: memref<1x128xf32, #tpu.memory_space<vmem>>, %arg7: memref<128x128xf32, #tpu.memory_space<vmem>>, %arg8: memref<1x128xf32, #tpu.memory_space<vmem>>, %arg9: memref<128x128xf32, #tpu.memory_space<vmem>>, %arg10: memref<1x128xf32, #tpu.memory_space<vmem>>, %arg11: memref<400x128xf32, #tpu.memory_space<vmem>>, %arg12: memref<400x128xf32, #tpu.memory_space<vmem>>) attributes {dimension_semantics = [#tpu.dimension_semantics<arbitrary>], iteration_bounds = array<i64: 25>, scalar_prefetch = 0 : i64, scratch_operands = 0 : i64, tpu.core_type = #tpu.core_type<tc>, window_params = [{transform_indices = @transform_0, window_bounds = array<i64: 2, 400, 128>}, {transform_indices = @transform_1, window_bounds = array<i64: 400, 128>}, {transform_indices = @transform_2, window_bounds = array<i64: 400, 2>}, {pipeline_mode = #tpu.pipeline_mode<synchronous>, transform_indices = @transform_3, window_bounds = array<i64: 1, 128>}, {pipeline_mode = #tpu.pipeline_mode<synchronous>, transform_indices = @transform_4, window_bounds = array<i64: 128, 128>}, {pipeline_mode = #tpu.pipeline_mode<synchronous>, transform_indices = @transform_5, window_bounds = array<i64: 1, 128>}, {pipeline_mode = #tpu.pipeline_mode<synchronous>, transform_indices = @transform_6, window_bounds = array<i64: 128, 128>}, {pipeline_mode = #tpu.pipeline_mode<synchronous>, transform_indices = @transform_7, window_bounds = array<i64: 1, 128>}, {pipeline_mode = #tpu.pipeline_mode<synchronous>, transform_indices = @transform_8, window_bounds = array<i64: 128, 128>}, {pipeline_mode = #tpu.pipeline_mode<synchronous>, transform_indices = @transform_9, window_bounds = array<i64: 1, 128>}, {transform_indices = @transform_10, window_bounds = array<i64: 400, 128>}, {transform_indices = @transform_11, window_bounds = array<i64: 400, 128>}]} {
    %get3A = arith.constant 0 : index
    %get3A_0 = arith.constant 0 : index
    %get3A_1 = vector.load %arg3[%get3A, %get3A_0] : memref<400x2xf32, #tpu.memory_space<vmem>>, vector<400x1xf32>
    %get3A_2 = vector.shape_cast %get3A_1 : vector<400x1xf32> to vector<400xf32>
    %get3A_3 = arith.constant 0 : index
    %get3A_4 = arith.constant 1 : index
    %get3A_5 = vector.load %arg3[%get3A_3, %get3A_4] : memref<400x2xf32, #tpu.memory_space<vmem>>, vector<400x1xf32>
    %get3A_6 = vector.shape_cast %get3A_5 : vector<400x1xf32> to vector<400xf32>
    %add3A = arith.addf %get3A_2, %get3A_6 : vector<400xf32>
    %add3A_7 = arith.constant 1.000000e+00 : f32
    %add3A_8 = vector.broadcast %add3A_7 : f32 to vector<400xf32>
    %add3A_9 = arith.addf %add3A, %add3A_8 : vector<400xf32>
    %rsqrt3A = math.rsqrt %add3A_9 : vector<400xf32>
    %broadcast_in_dim3A = vector.shape_cast %rsqrt3A : vector<400xf32> to vector<400x1xf32>
    %get3A_10 = arith.constant 0 : index
    %get3A_11 = arith.constant 0 : index
    %get3A_12 = arith.constant 0 : index
    %get3A_13 = vector.load %arg1[%get3A_10, %get3A_11, %get3A_12] : memref<2x400x128xf32, #tpu.memory_space<vmem>>, vector<1x400x128xf32>
    %get3A_14 = vector.shape_cast %get3A_13 : vector<1x400x128xf32> to vector<400x128xf32>
    %get3A_15 = arith.constant 1 : index
    %get3A_16 = arith.constant 0 : index
    %get3A_17 = arith.constant 0 : index
    %get3A_18 = vector.load %arg1[%get3A_15, %get3A_16, %get3A_17] : memref<2x400x128xf32, #tpu.memory_space<vmem>>, vector<1x400x128xf32>
    %get3A_19 = vector.shape_cast %get3A_18 : vector<1x400x128xf32> to vector<400x128xf32>
    %add3A_20 = arith.addf %get3A_14, %get3A_19 : vector<400x128xf32>
    %get3A_21 = arith.constant 0 : index
    %get3A_22 = arith.constant 0 : index
    %get3A_23 = vector.load %arg2[%get3A_21, %get3A_22] : memref<400x128xf32, #tpu.memory_space<vmem>>, vector<400x128xf32>
    %add3A_24 = arith.addf %add3A_20, %get3A_23 : vector<400x128xf32>
    %mul3A = vector.broadcast %broadcast_in_dim3A : vector<400x1xf32> to vector<400x128xf32>
    %mul3A_25 = arith.mulf %mul3A, %add3A_24 : vector<400x128xf32>
    %get3A_26 = arith.constant 0 : index
    %get3A_27 = arith.constant 0 : index
    %get3A_28 = vector.load %arg4[%get3A_26, %get3A_27] : memref<1x128xf32, #tpu.memory_space<vmem>>, vector<1x128xf32>
    %add3A_29 = vector.broadcast %get3A_28 : vector<1x128xf32> to vector<400x128xf32>
    %add3A_30 = arith.addf %mul3A_25, %add3A_29 : vector<400x128xf32>
    %max3A = arith.constant 0.000000e+00 : f32
    %max3A_31 = vector.broadcast %max3A : f32 to vector<400x128xf32>
    %max3A_32 = arith.maximumf %add3A_30, %max3A_31 : vector<400x128xf32>
    %get3A_33 = arith.constant 0 : index
    %get3A_34 = arith.constant 0 : index
    %get3A_35 = vector.load %arg5[%get3A_33, %get3A_34] : memref<128x128xf32, #tpu.memory_space<vmem>>, vector<128x128xf32>
    %dot_general3A = arith.constant dense<0.000000e+00> : vector<400x128xf32>
    %dot_general3A_36 = tpu.matmul %max3A_32, %get3A_35, %dot_general3A {dimension_numbers = #tpu.dot_dimension_numbers<[1], [0], [0], [1], [0, 0, 1, 1], [], []>, precision = #tpu.contract_precision<fp32>, transpose_lhs_hint = false} : vector<400x128xf32>, vector<128x128xf32>, vector<400x128xf32> -> vector<400x128xf32>
    %get3A_37 = arith.constant 0 : index
    %get3A_38 = arith.constant 0 : index
    %get3A_39 = vector.load %arg6[%get3A_37, %get3A_38] : memref<1x128xf32, #tpu.memory_space<vmem>>, vector<1x128xf32>
    %add3A_40 = vector.broadcast %get3A_39 : vector<1x128xf32> to vector<400x128xf32>
    %add3A_41 = arith.addf %dot_general3A_36, %add3A_40 : vector<400x128xf32>
    %max3A_42 = arith.constant 0.000000e+00 : f32
    %max3A_43 = vector.broadcast %max3A_42 : f32 to vector<400x128xf32>
    %max3A_44 = arith.maximumf %add3A_41, %max3A_43 : vector<400x128xf32>
    %swap3A = arith.constant 0 : index
    %swap3A_45 = arith.constant 0 : index
    %swap3A_46 = vector.load %arg11[%swap3A, %swap3A_45] : memref<400x128xf32, #tpu.memory_space<vmem>>, vector<400x128xf32>
    tpu.vector_store %arg11[%swap3A, %swap3A_45], %max3A_44 {strides = array<i32>} : memref<400x128xf32, #tpu.memory_space<vmem>>, vector<400x128xf32>,
    %get3A_47 = arith.constant 0 : index
    %get3A_48 = arith.constant 0 : index
    %get3A_49 = vector.load %arg7[%get3A_47, %get3A_48] : memref<128x128xf32, #tpu.memory_space<vmem>>, vector<128x128xf32>
    %dot_general3A_50 = arith.constant dense<0.000000e+00> : vector<400x128xf32>
    %dot_general3A_51 = tpu.matmul %max3A_44, %get3A_49, %dot_general3A_50 {dimension_numbers = #tpu.dot_dimension_numbers<[1], [0], [0], [1], [0, 0, 1, 1], [], []>, precision = #tpu.contract_precision<fp32>, transpose_lhs_hint = false} : vector<400x128xf32>, vector<128x128xf32>, vector<400x128xf32> -> vector<400x128xf32>
    %get3A_52 = arith.constant 0 : index
    %get3A_53 = arith.constant 0 : index
    %get3A_54 = vector.load %arg8[%get3A_52, %get3A_53] : memref<1x128xf32, #tpu.memory_space<vmem>>, vector<1x128xf32>
    %add3A_55 = vector.broadcast %get3A_54 : vector<1x128xf32> to vector<400x128xf32>
    %add3A_56 = arith.addf %dot_general3A_51, %add3A_55 : vector<400x128xf32>
    %max3A_57 = arith.constant 0.000000e+00 : f32
    %max3A_58 = vector.broadcast %max3A_57 : f32 to vector<400x128xf32>
    %max3A_59 = arith.maximumf %add3A_56, %max3A_58 : vector<400x128xf32>
    %get3A_60 = arith.constant 0 : index
    %get3A_61 = arith.constant 0 : index
    %get3A_62 = vector.load %arg9[%get3A_60, %get3A_61] : memref<128x128xf32, #tpu.memory_space<vmem>>, vector<128x128xf32>
    %dot_general3A_63 = arith.constant dense<0.000000e+00> : vector<400x128xf32>
    %dot_general3A_64 = tpu.matmul %max3A_59, %get3A_62, %dot_general3A_63 {dimension_numbers = #tpu.dot_dimension_numbers<[1], [0], [0], [1], [0, 0, 1, 1], [], []>, precision = #tpu.contract_precision<fp32>, transpose_lhs_hint = false} : vector<400x128xf32>, vector<128x128xf32>, vector<400x128xf32> -> vector<400x128xf32>
    %get3A_65 = arith.constant 0 : index
    %get3A_66 = arith.constant 0 : index
    %get3A_67 = vector.load %arg10[%get3A_65, %get3A_66] : memref<1x128xf32, #tpu.memory_space<vmem>>, vector<1x128xf32>
    %add3A_68 = vector.broadcast %get3A_67 : vector<1x128xf32> to vector<400x128xf32>
    %add3A_69 = arith.addf %dot_general3A_64, %add3A_68 : vector<400x128xf32>
    %swap3A_70 = arith.constant 0 : index
    %swap3A_71 = arith.constant 0 : index
    %swap3A_72 = vector.load %arg12[%swap3A_70, %swap3A_71] : memref<400x128xf32, #tpu.memory_space<vmem>>, vector<400x128xf32>
    tpu.vector_store %arg12[%swap3A_70, %swap3A_71], %add3A_69 {strides = array<i32>} : memref<400x128xf32, #tpu.memory_space<vmem>>, vector<400x128xf32>,
    return
  }
  func.func @transform_0(%arg0: i32) -> (i32, i32, i32) {
    %c0_i32 = arith.constant 0 : i32
    %c0_i32_0 = arith.constant 0 : i32
    %c0_i32_1 = arith.constant 0 : i32
    return %c0_i32, %arg0, %c0_i32_0 : i32, i32, i32
  }
  func.func @transform_1(%arg0: i32) -> (i32, i32) {
    %c0_i32 = arith.constant 0 : i32
    %c0_i32_0 = arith.constant 0 : i32
    return %arg0, %c0_i32 : i32, i32
  }
  func.func @transform_2(%arg0: i32) -> (i32, i32) {
    %c0_i32 = arith.constant 0 : i32
    %c0_i32_0 = arith.constant 0 : i32
    return %arg0, %c0_i32 : i32, i32
  }
  func.func @transform_3(%arg0: i32) -> (i32, i32) {
    %c0_i32 = arith.constant 0 : i32
    %c0_i32_0 = arith.constant 0 : i32
    %c0_i32_1 = arith.constant 0 : i32
    return %c0_i32, %c0_i32_0 : i32, i32
  }
  func.func @transform_4(%arg0: i32) -> (i32, i32) {
    %c0_i32 = arith.constant 0 : i32
    %c0_i32_0 = arith.constant 0 : i32
    %c0_i32_1 = arith.constant 0 : i32
    return %c0_i32, %c0_i32_0 : i32, i32
  }
  func.func @transform_5(%arg0: i32) -> (i32, i32) {
    %c0_i32 = arith.constant 0 : i32
    %c0_i32_0 = arith.constant 0 : i32
    %c0_i32_1 = arith.constant 0 : i32
    return %c0_i32, %c0_i32_0 : i32, i32
  }
  func.func @transform_6(%arg0: i32) -> (i32, i32) {
    %c0_i32 = arith.constant 0 : i32
    %c0_i32_0 = arith.constant 0 : i32
    %c0_i32_1 = arith.constant 0 : i32
    return %c0_i32, %c0_i32_0 : i32, i32
  }
  func.func @transform_7(%arg0: i32) -> (i32, i32) {
    %c0_i32 = arith.constant 0 : i32
    %c0_i32_0 = arith.constant 0 : i32
    %c0_i32_1 = arith.constant 0 : i32
    return %c0_i32, %c0_i32_0 : i32, i32
  }
  func.func @transform_8(%arg0: i32) -> (i32, i32) {
    %c0_i32 = arith.constant 0 : i32
    %c0_i32_0 = arith.constant 0 : i32
    %c0_i32_1 = arith.constant 0 : i32
    return %c0_i32, %c0_i32_0 : i32, i32
  }
  func.func @transform_9(%arg0: i32) -> (i32, i32) {
    %c0_i32 = arith.constant 0 : i32
    %c0_i32_0 = arith.constant 0 : i32
    %c0_i32_1 = arith.constant 0 : i32
    return %c0_i32, %c0_i32_0 : i32, i32
  }
  func.func @transform_10(%arg0: i32) -> (i32, i32) {
    %c0_i32 = arith.constant 0 : i32
    %c0_i32_0 = arith.constant 0 : i32
    return %arg0, %c0_i32 : i32, i32
  }
  func.func @transform_11(%arg0: i32) -> (i32, i32) {
    %c0_i32 = arith.constant 0 : i32
    %c0_i32_0 = arith.constant 0 : i32
    return %arg0, %c0_i32 : i32, i32
  }
}

</mosaic_0001>

<sc_bundles>
// kernel: kernel.11.cloned.1.call-start
scs
__scs_entry_jumppad:
0x0: {  	(pc) =	sbr.rel $0x88, $3  }
0x1: {  	(tag) =	ssettag $0x0;
	lr =	simm.s32 $0x1  }
0x2: {  	[smem:$0x3F93] =	sst lr;
	_ =	strace $0xD0000000  }
0x3: {  	_ = 	snop  }
0x4: {  	_ = 	snop  }
0x5: {  	_ = 	snop  }
0x6: {  	_ = 	snop  }
0x7: {  	_ = 	snop  }
__scs_overlays_trampoline_lowered:
0x8: {  	[smem:$0x3FA2] =	sst s0  }
0x9: {  	[smem:$0x3FA3] =	sst s1  }
0xa: {  	[smem:$0x3FA4] =	sst s2  }
0xb: {  	[smem:$0x3FA5] =	sst s3  }
0xc: {  	[smem:$0x3FA6] =	sst s4  }
0xd: {  	[smem:$0x3FA7] =	sst s5  }
0xe: {  	[smem:$0x3FA8] =	sst s6  }
0xf: {  	[smem:$0x3FA9] =	sst s7  }
0x10: {  	[smem:$0x3FAA] =	sst s8  }
0x11: {  	[smem:$0x3FAB] =	sst s9;
	s0 =	simm.s32 @!p0 $0x0  }
0x12: {  	s1 =	sld [smem:$0x3F91];
	s0 =	simm.s32 @p0 $0x1  }
0x13: {  	[smem:$0x3FAC] =	sst s0;
	s0 =	simm.s32 @!p1 $0x0  }
0x14: {  	s2 =	sld [smem:$0x3F90];
	s0 =	simm.s32 @p1 $0x1  }
0x15: {  	[smem:$0x3FAD] =	sst s0;
	s0 =	simm.s32 @!p2 $0x0  }
0x16: {  	s3 =	sld [smem:$0x3FDB];
	s0 =	simm.s32 @p2 $0x1  }
0x17: {  	s4 =	simm.s32 $0x1BF5;
	[smem:$0x3FAF] =	sst s0  }
0x18: {  	s0 =	sld [smem:$0x3F92];
	_ =	swait.ge [sflag:s4], $0x0  }
0x19: {  	s7 =	sld [smem:$0x3F93]  }
0x1a: {  	s8 =	sadd.s32 $0xFFFFE003, lr  }
0x1b: {  	s9 =	sadd.s32 $0xFFFFFEF7, lr;
	s5 =	simm.s32 $0xFFFFFFFF;
	p2 =	slt.u32 s8, $0xFFFFF086  }
0x1c: {  	p1 =	slt.u32 s9, $0xF7A;
	s5 =	simm.s32 @!p2 $0x0  }
0x1d: {  	s5 =	simm.s32 @p1 $0x1;
	p0 =	seq.s32 s7, s2  }
0x1e: {  	s7 =	smul.u32 @!p0 $0xF7A, s2;
	p2 =	seq.s32 @!p0 s5, $0x0  }
0x1f: {  	s9 =	smul.u32 $0xF7A, s1;
	s8 =	simm.s32 @!p0 $0x1BF5;
	p2 =	por !p2, p0  }
0x20: {  	[sflag:s8] =	ssyncset.s32 @!p0 $0xFFFFF086;
	s6 =	sadd.s32 @!p0 s3, s7;
	s7 =	simm.s32 @!p0 $0x108  }
0x21: {  	s3 =	sadd.s32 s3, s9;
	s6 =	sadd.s32 @!p0 $0x88, s6;
	s7 =	simm.s32 @p2 $0x1082  }
0x22: {  	[simem:s7], [sflag:s8] =	dma.local @!p0 [hbm:s6], $0xF7A  }
0x23: {  	s9 =	sor.u32 $0xD0000000, s2;
	s6 =	simm.s32 $0x108;
	_ =	swait.ge @!p0 [sflag:s8], $0x0  }
0x24: {  	s3 =	sadd.s32 $0x88, s3;
	s6 =	simm.s32 @!p1 $0x1082;
	[sflag:s4] =	ssyncset.s32 $0xFFFFF086  }
0x25: {  	[simem:s6], [sflag:s4] =	dma.local [hbm:s3], $0xF7A  }
0x26: {  	[smem:$0x3F93] =	sst s1;
	(tag) =	ssettag s2;
	_ =	strace s9  }
0x27: {  	s1 =	sld [smem:$0x3FA3]  }
0x28: {  	s2 =	sld [smem:$0x3FA4]  }
0x29: {  	s4 =	sld [smem:$0x3FA6]  }
0x2a: {  	p0 =	seq.s32 s5, $0x0;
	s5 =	sld [smem:$0x3FA7]  }
0x2b: {  	s6 =	sld [smem:$0x3FA8]  }
0x2c: {  	s7 =	sld [smem:$0x3FA9]  }
0x2d: {  	s3 =	simm.s32 $0x108;
	s8 =	sld [smem:$0x3FAA]  }
0x2e: {  	s3 =	simm.s32 @!p0 $0x1082;
	s9 =	sld [smem:$0x3FAB]  }
0x2f: {  	lr =	sadd.s32 s0, s3;
	s0 =	sld [smem:$0x3FA2]  }
0x30: {  	s3 =	sld [smem:$0x3FA5]  }
0x31: {  	[smem:$0x3FAE] =	sst s10  }
0x32: {  	s10 =	sld [smem:$0x3FAC];
	_ =	sdelay $0x3  }
0x33: {  	p0 =	seq.s32 s10, $0x1;
	s10 =	sld [smem:$0x3FAE];
	_ =	sdelay $0x3  }
0x34: {  	[smem:$0x3FAE] =	sst s10  }
0x35: {  	s10 =	sld [smem:$0x3FAD];
	_ =	sdelay $0x3  }
0x36: {  	p1 =	seq.s32 s10, $0x1;
	s10 =	sld [smem:$0x3FAE];
	_ =	sdelay $0x3  }
0x37: {  	[smem:$0x3FAE] =	sst s10  }
0x38: {  	s10 =	sld [smem:$0x3FAF]  }
0x39: {  	_ = 	snop;
	(pc) =	sbr.ind lr, $3  }
0x3a: {  	_ = 	snop  }
0x3b: {  	_ = 	snop  }
0x3c: {  	p2 =	seq.s32 s10, $0x1;
	s10 =	sld [smem:$0x3FAE]  }
0x3d: {  	_ =	shalt  }
0x3e: {  	_ =	shalt  }
0x3f: {  	_ =	shalt  }
0x40: {  	_ =	shalt  }
0x41: {  	_ =	shalt  }
0x42: {  	_ =	shalt  }
0x43: {  	_ =	shalt  }
0x44: {  	_ =	shalt  }
0x45: {  	_ =	shalt  }
0x46: {  	_ =	shalt  }
0x47: {  	_ =	shalt  }
0x48: {  	_ =	shalt  }
0x49: {  	_ =	shalt  }
0x4a: {  	_ =	shalt  }
0x4b: {  	_ =	shalt  }
0x4c: {  	_ =	shalt  }
0x4d: {  	_ =	shalt  }
0x4e: {  	_ =	shalt  }
0x4f: {  	_ =	shalt  }
0x50: {  	_ =	shalt  }
0x51: {  	_ =	shalt  }
0x52: {  	_ =	shalt  }
0x53: {  	_ =	shalt  }
0x54: {  	_ =	shalt  }
0x55: {  	_ =	shalt  }
0x56: {  	_ =	shalt  }
0x57: {  	_ =	shalt  }
0x58: {  	_ =	shalt  }
0x59: {  	_ =	shalt  }
0x5a: {  	_ =	shalt  }
0x5b: {  	_ =	shalt  }
0x5c: {  	_ =	shalt  }
0x5d: {  	_ =	shalt  }
0x5e: {  	_ =	shalt  }
0x5f: {  	_ =	shalt  }
0x60: {  	_ =	shalt  }
0x61: {  	_ =	shalt  }
0x62: {  	_ =	shalt  }
0x63: {  	_ =	shalt  }
0x64: {  	_ =	shalt  }
0x65: {  	_ =	shalt  }
0x66: {  	_ =	shalt  }
0x67: {  	_ =	shalt  }
0x68: {  	_ =	shalt  }
0x69: {  	_ =	shalt  }
0x6a: {  	_ =	shalt  }
0x6b: {  	_ =	shalt  }
0x6c: {  	_ =	shalt  }
0x6d: {  	_ =	shalt  }
0x6e: {  	_ =	shalt  }
0x6f: {  	_ =	shalt  }
0x70: {  	_ =	shalt  }
0x71: {  	_ =	shalt  }
0x72: {  	_ =	shalt  }
0x73: {  	_ =	shalt  }
0x74: {  	_ =	shalt  }
0x75: {  	_ =	shalt  }
0x76: {  	_ =	shalt  }
0x77: {  	_ =	shalt  }
0x78: {  	_ =	shalt  }
0x79: {  	_ =	shalt  }
0x7a: {  	_ =	shalt  }
0x7b: {  	_ =	shalt  }
0x7c: {  	_ =	shalt  }
0x7d: {  	_ =	shalt  }
0x7e: {  	_ =	shalt  }
0x7f: {  	_ =	shalt  }
0x80: {  	_ =	shalt  }
0x81: {  	_ =	shalt  }
0x82: {  	_ =	shalt  }
0x83: {  	_ =	shalt  }
0x84: {  	_ =	shalt  }
0x85: {  	_ =	shalt  }
0x86: {  	_ =	shalt  }
0x87: {  	_ =	shalt  }
.Lfunc_end0:
.L_simem_size_0:
called_computation.1_lowered:
.L_overlay_start_0:
0x88: {  	s2 =	sld [smem:$0x3FD9]  }
0x89: {  	s3 =	sld [smem:$0x3FFE];
	_ =	sdelay $0x1  }
0x8a: {  	s1 =	srdreg.scid  }
0x8b: {  	s0 =	sand.u32 $0x1, s1  }
0x8c: {  	s14 =	sshll.u32 s0, $0xA;
	s2 =	sadd.s32 s3, s2  }
0x8d: {  	s2 =	sadd.s32 s2, s14  }
0x8e: {  	[smem:$0x3FBA] =	sst s2  }
0x8f: {  	_ = 	snop  }
0x90: {  	s2 =	sld [smem:$0x3FD0];
	_ =	sdelay $0x2  }
0x91: {  	s15 =	simm.s32 $0xA;
	s4 =	simm.s32 $0x10  }
0x92: {  	[smem:s4], [sflag:s15] =	dma.local [hbm:s2], $0x1  }
0x93: {  	_ =	swait.eq [sflag:s15], $0x1  }
0x94: {  	[sflag:s15] =	ssyncset.done $0x0  }
0x95: {  	[sflag:s15] =	ssyncadd.s32 $0xFFFFFFFF  }
0x96: {  	s16 =	sld [smem:$0x12];
	(tm) =	ssettm $0x1  }
0x97: {  	s17 =	sld [smem:$0x3FFB];
	_ =	sdelay $0x3  }
0x98: {  	_ =	strace s17  }
0x99: {  	s3 =	sld [smem:$0x3FFC];
	_ =	sdelay $0x3  }
0x9a: {  	_ =	strace s3  }
0x9b: {  	s3 =	sld [smem:$0x3FFD];
	_ =	sdelay $0x3  }
0x9c: {  	_ =	strace s3  }
0x9d: {  	_ =	strace $0x8FFFFFFF  }
0x9e: {  	s18 =	sld [smem:$0x3FDB];
	_ =	sdelay $0x1  }
0x9f: {  	s19 =	simm.s32 $_scs_section_size  }
0xa0: {  	s5 =	simm.s32 $_size__tile_overlayer_lowered;
	s6 =	simm.s32 $_tile_overlayer_lowered  }
0xa1: {  	s22 =	simm.s32 $0x1BFF;
	s21 =	sshll.u32 s6, $0x1;
	s3 =	sadd.s32 s19, s18  }
0xa2: {  	s7 =	simm.s32 $0x0;
	s20 =	sshll.u32 s5, $0x1;
	s5 =	sadd.s32 s21, s3  }
0xa3: {  	[timem:s7], [sflag:s22] =	dma.local [hbm:s5], s20  }
0xa4: {  	_ =	swait.ge [sflag:s22], s20  }
0xa5: {  	s4 =	ssub.s32 $0x0, s20;
	[sflag:s22] =	ssyncset.done $0x0  }
0xa6: {  	[sflag:s22] =	ssyncadd.s32 s4;
	_ =	sdelay $0x1  }
0xa7: {  	s23 =	simm.s32 $0x1B8B  }
0xa8: {  	_ =	swait.ge [sflag:s23], $0x1  }
0xa9: {  	[sflag:s23] =	ssyncset.done $0x0  }
0xaa: {  	s25 =	simm.s32 $0x1B8E;
	s24 =	sld [smem:$0x3FFE];
	[sflag:s23] =	ssyncadd.s32 $0xFFFFFFFF  }
0xab: {  	s26 =	simm.s32 $execute0_lowered;
	[smem:$0x3FD2] =	sst s25  }
0xac: {  	s5 =	sshll.u32 s26, $0x1;
	_ =	strace $0x80000049;
	[dreg:$0x1] =	wrdreg $0xFFFFFFFF  }
0xad: {  	s28 =	simm.s32 $_size_execute0_lowered;
	s3 =	sadd.s32 s3, s5;
	[dreg:$0x0] =	wrdreg $0x0  }
0xae: {  	s5 =	sshll.u32 s28, $0x1;
	[dreg:$0x2] =	wrdreg s3  }
0xaf: {  	[dreg:$0x3] =	wrdreg s5  }
0xb0: {  	[dreg:$0x4] =	wrdreg $0xC0  }
0xb1: {  	_ =	task [dreg:s7], $0x5FFFF  }
0xb2: {  	[dreg:$0x1] =	wrdreg $0xFFFFFFFF  }
0xb3: {  	[dreg:$0x0] =	wrdreg $0x60  }
0xb4: {  	[dreg:$0x2] =	wrdreg s16  }
0xb5: {  	[dreg:$0x3] =	wrdreg s24  }
0xb6: {  	[dreg:$0x4] =	wrdreg $0x86000  }
0xb7: {  	[dreg:$0x5] =	wrdreg $0x9  }
0xb8: {  	_ =	task.clear_ibuf [dreg:s7], $0x6FFFF;
	_ =	strace $0x90000049  }
0xb9: {  	s29 =	simm.s32 $0x9;
	_ =	strace $0x8000004B  }
0xba: {  	_ =	swait.ge [sflag:s29], $0x1  }
0xbb: {  	[sflag:s29] =	ssyncadd.s32 $0xFFFFFFFF  }
0xbc: {  	_ =	strace $0x9000004B  }
0xbd: {  	_ =	sfence  }
0xbe: {  	s30 =	sld [smem:$0x0];
	_ =	sdelay $0x2  }
0xbf: {  	s31 =	sshll.u32 s1, $0xD;
	s1 =	sshrl.u32 s1, $0x2  }
0xc0: {  	s3 =	sand.u32 $0x4000, s31;
	s1 =	sadd.s32 s1, s30  }
0xc1: {  	s0 =	sor.u32 s3, s0;
	s1 =	sshll.u32 s1, $0x11  }
0xc2: {  	s0 =	sor.u32 s1, s0  }
0xc3: {  	s0 =	sadd.s32 $0x8F2B, s0  }
0xc4: {  	[sflag:s0] =	ssyncadd.remote.s32 $0x1  }
0xc5: {  	_ =	sfence.sel $0xFFFF  }
0xc6: {  	[dreg:$0x0] =	wrdreg $0xFFFFFFFF;
	(pc) =	sbr.abs _section_cstart, $3  }
0xc7: {  	[dreg:$0x1] =	wrdreg $0xFFFFFFFF  }
0xc8: {  	_ =	task.clear_ibuf [dreg:s7], $0x2FFFF;
	_ =	strace $0x9FFFFFFF  }
0xc9: {  	(tm) =	ssettm $0x7FFFFFFF  }
tec
execute0_lowered:
.L_overlay_start_1:
0x0: {  	(tag) =	ssettag $0x1  }
0x1: {  	s1 =	rddreg [dreg:$0x0];
	s2 =	srdreg.scid  }
0x2: {  	s0 =	stileid.u32;
	s5 =	rddreg [dreg:$0x1]  }
0x3: {  	s3 =	rddreg [dreg:$0x2];
	s4 =	simm.s32 $0x0;
	s19 =	simm.s32 $0x6600  }
0x4: {  	s20 =	simm.s32 $0x2;
	s21 =	simm.s32 $0x100;
	s7 =	smul.u32 $0x4E20, s0  }
0x5: {  	s22 =	simm.s32 $0xC8;
	s23 =	simm.s32 $0x200;
	s28 =	smul.u32 $0x14000, s0  }
0x6: {  	s24 =	simm.s32 $0x1;
	s6 =	sand.u32 $0x1, s2;
	s10 =	smul.u32 $0x50000, s0  }
0x7: {  	s25 =	simm.s32 $0x0;
	[smem:$0x7FF] =	sst s4;
	s8 =	smul.u32 $0x2710, s6  }
0x8: {  	s2 =	rddreg [dreg:$0x3];
	s9 =	smul.u32 $0x140000, s6;
	_ =	strace $0x8000004A  }
0x9: {  	s6 =	ssub.s32 $0x2, s6;
	s30 =	sshrl.u32 s10, $0x2;
	s7 =	sadd.s32 s8, s7  }
0xa: {  	s31 =	sshrl.u32 s6, $0x1;
	s29 =	sadd.s32 s28, s9;
	s7 =	sshrl.u32 s7, $0x3  }
0xb: {  	s16 =	ssub.s32 s6, s31;
	s18 =	sadd.s32 s7, s5;
	s7 =	sshrl.u32 s29, $0x3  }
0xc: {  	s16 =	smax.u32 s16, $0x1;
	s15 =	sadd.s32 s7, s5;
	s5 =	sadd.s32 s30, s3  }
0xd: {  	s17 =	sadd.s32 $0xBC00, s18;
	s18 =	sadd.s32 $0x1E00, s18;
	s6 =	sadd.s32 $0x2000, s5  }
0xe: {  	s7 =	sadd.s32 $0x4000, s5;
	s8 =	sadd.s32 $0x6000, s5;
	s9 =	sadd.s32 $0x8000, s5  }
0xf: {  	s10 =	sadd.s32 $0xA000, s5;
	s11 =	sadd.s32 $0xC000, s5;
	s12 =	sadd.s32 $0xE000, s5  }
0x10: {  	v0 =	vimm.f32 $0.0e+00;
	s13 =	sadd.s32 $0x10000, s5;
	s14 =	sadd.s32 $0x12000, s5;
	s15 =	sadd.s32 $0x15A00, s15  }
.LBB2_1:
0x11: {  	s26 =	sand.u32 $0x7E00, s4  }
0x12: {  	s28 =	sand.u32 $0x70, s4;
	s29 =	sshrl.u32 s26, $0x2  }
0x13: {  	s26 =	simm.s32 $0x40;
	s29 =	sor.u32 s28, s29;
	s28 =	simm.s32 $0x0  }
.LBB2_2:
0x14: {  	p0 =	sne.s32 s26, $0x7FC0  }
0x15: {  	[tilespmem:s29+$0x6600] =	vst v0;
	s28 =	sadd.s32 $0x10, s28;
	s29 =	smov.u32 s26;
	s26 =	sadd.s32 $0x40, s26  }
.Ltmp0:
0x16: {  	(pc) =	sbr.rel @p0 .LBB2_2-.Ltmp0, $4  }
0x17: {  	_ = 	snop  }
0x18: {  	s29 =	sand.u32 $0x7E00, s29  }
0x19: {  	s30 =	sand.u32 $0x70, s28;
	s29 =	sshrl.u32 s29, $0x2  }
0x1a: {  	s29 =	sor.u32 s30, s29  }
0x1b: {  	[tilespmem:s29+$0x6600] =	vst v0  }
0x1c: {  	[spmem:s5] =	stream.linear.scatter [tilespmem:s19], [sflag:$0x2], $0x2000, $0x38;
	[tilespmem:$0x1C600] =	vst v63  }
0x1d: {  	_ =	swait.ge [sflag:s20], $0x2000  }
0x1e: {  	[sflag:s20] =	ssyncset.done $0x0  }
0x1f: {  	[sflag:s20] =	ssyncadd.s32 $0xFFFFE000  }
0x20: {  	[spmem:s6] =	stream.linear.scatter [tilespmem:s19], [sflag:$0x2], $0x2000, $0x38;
	[tilespmem:$0x1C600] =	vst v63  }
0x21: {  	_ =	swait.ge [sflag:s20], $0x2000  }
0x22: {  	[sflag:s20] =	ssyncset.done $0x0  }
0x23: {  	[sflag:s20] =	ssyncadd.s32 $0xFFFFE000  }
0x24: {  	[spmem:s7] =	stream.linear.scatter [tilespmem:s19], [sflag:$0x2], $0x2000, $0x38;
	[tilespmem:$0x1C600] =	vst v63  }
0x25: {  	_ =	swait.ge [sflag:s20], $0x2000  }
0x26: {  	[sflag:s20] =	ssyncset.done $0x0  }
0x27: {  	[sflag:s20] =	ssyncadd.s32 $0xFFFFE000  }
0x28: {  	[spmem:s8] =	stream.linear.scatter [tilespmem:s19], [sflag:$0x2], $0x2000, $0x38;
	[tilespmem:$0x1C600] =	vst v63  }
0x29: {  	_ =	swait.ge [sflag:s20], $0x2000  }
0x2a: {  	[sflag:s20] =	ssyncset.done $0x0  }
0x2b: {  	[sflag:s20] =	ssyncadd.s32 $0xFFFFE000  }
0x2c: {  	[spmem:s9] =	stream.linear.scatter [tilespmem:s19], [sflag:$0x2], $0x2000, $0x38;
	[tilespmem:$0x1C600] =	vst v63  }
0x2d: {  	_ =	swait.ge [sflag:s20], $0x2000  }
0x2e: {  	[sflag:s20] =	ssyncset.done $0x0  }
0x2f: {  	[sflag:s20] =	ssyncadd.s32 $0xFFFFE000  }
0x30: {  	[spmem:s10] =	stream.linear.scatter [tilespmem:s19], [sflag:$0x2], $0x2000, $0x38;
	[tilespmem:$0x1C600] =	vst v63  }
0x31: {  	_ =	swait.ge [sflag:s20], $0x2000  }
0x32: {  	[sflag:s20] =	ssyncset.done $0x0  }
0x33: {  	[sflag:s20] =	ssyncadd.s32 $0xFFFFE000  }
0x34: {  	[spmem:s11] =	stream.linear.scatter [tilespmem:s19], [sflag:$0x2], $0x2000, $0x38;
	[tilespmem:$0x1C600] =	vst v63  }
0x35: {  	_ =	swait.ge [sflag:s20], $0x2000  }
0x36: {  	[sflag:s20] =	ssyncset.done $0x0  }
0x37: {  	[sflag:s20] =	ssyncadd.s32 $0xFFFFE000  }
0x38: {  	[spmem:s12] =	stream.linear.scatter [tilespmem:s19], [sflag:$0x2], $0x2000, $0x38;
	[tilespmem:$0x1C600] =	vst v63  }
0x39: {  	_ =	swait.ge [sflag:s20], $0x2000  }
0x3a: {  	[sflag:s20] =	ssyncset.done $0x0  }
0x3b: {  	[sflag:s20] =	ssyncadd.s32 $0xFFFFE000  }
0x3c: {  	[spmem:s13] =	stream.linear.scatter [tilespmem:s19], [sflag:$0x2], $0x2000, $0x38;
	[tilespmem:$0x1C600] =	vst v63  }
0x3d: {  	_ =	swait.ge [sflag:s20], $0x2000  }
0x3e: {  	[sflag:s20] =	ssyncset.done $0x0  }
0x3f: {  	[sflag:s20] =	ssyncadd.s32 $0xFFFFE000  }
0x40: {  	[spmem:s14] =	stream.linear.scatter [tilespmem:s19], [sflag:$0x2], $0x2000, $0x38;
	[tilespmem:$0x1C600] =	vst v63  }
0x41: {  	_ =	swait.ge [sflag:s20], $0x2000  }
0x42: {  	[sflag:s20] =	ssyncset.done $0x0  }
0x43: {  	[sflag:s20] =	ssyncadd.s32 $0xFFFFE000  }
0x44: {  	s26 =	sadd.s32 $0x0, s18;
	[bflag:$0x0] =	sbarrier.arrive $0xFFFF  }
0x45: {  	[tilespmem:s4], [sflag:$0x2] =	stream.linear.gather [hbm4b:s26+s4], $0xC8, $0x38;
	[tilespmem:$0x1C600] =	vst v63  }
0x46: {  	_ =	swait.ge [sflag:s20], $0xC8  }
0x47: {  	[sflag:s20] =	ssyncset.done $0x0  }
0x48: {  	s31 =	sadd.s32 $0x0, s17;
	[sflag:s20] =	ssyncadd.s32 $0xFFFFFF38  }
0x49: {  	[tilespmem:s21], [sflag:$0x2] =	stream.linear.gather [hbm4b:s31+s4], $0xC8, $0x38;
	[tilespmem:$0x1C600] =	vst v63  }
0x4a: {  	_ =	swait.ge [sflag:s20], $0xC8  }
0x4b: {  	[sflag:s20] =	ssyncset.done $0x0  }
0x4c: {  	[sflag:s20] =	ssyncadd.s32 $0xFFFFFF38  }
0x4d: {  	[tilespmem:s23], [sflag:$0x1] =	stream.indirect.gather [hbm4b:s1+s22], $0x80, s4, s22, $0xb8;
	[tilespmem:$0x1C600] =	vst v63  }
0x4e: {  	_ =	swait.ge [sflag:s24], $0x6400  }
0x4f: {  	[sflag:s24] =	ssyncset.done $0x0  }
0x50: {  	[sflag:s24] =	ssyncadd.s32 $0xFFFF9C00  }
0x51: {  	[spmem:s3] =	stream.indirect.scatter.add.f32 [tilespmem:s23], [sflag:$0x2], $0x80, s21, s22, $0xb8;
	[tilespmem:$0x1C600] =	vst v63  }
0x52: {  	_ =	swait.ge [sflag:s20], $0x6400  }
0x53: {  	s28 =	simm.s32 $0x32;
	s26 =	simm.s32 $0x19;
	[sflag:s20] =	ssyncset.done $0x0  }
.LBB2_4:
0x54: {  	s29 =	sadd.s32 s26, s18  }
0x55: {  	[sflag:s20] =	ssyncadd.s32 $0xFFFF9C00;
	s30 =	smov.u32 s28;
	s31 =	sadd.s32 $0x19, s28  }
0x56: {  	[tilespmem:s4], [sflag:$0x2] =	stream.linear.gather [hbm4b:s29+s4], $0xC8, $0x38;
	[tilespmem:$0x1C600] =	vst v63  }
0x57: {  	p0 =	sne.s32 s28, $0x4C9;
	_ =	swait.ge [sflag:s20], $0xC8  }
0x58: {  	[sflag:s20] =	ssyncset.done $0x0  }
0x59: {  	s28 =	sadd.s32 s26, s17;
	s26 =	smov.u32 s30;
	[sflag:s20] =	ssyncadd.s32 $0xFFFFFF38  }
0x5a: {  	[tilespmem:s21], [sflag:$0x2] =	stream.linear.gather [hbm4b:s28+s4], $0xC8, $0x38;
	[tilespmem:$0x1C600] =	vst v63  }
0x5b: {  	_ =	swait.ge [sflag:s20], $0xC8  }
0x5c: {  	[sflag:s20] =	ssyncset.done $0x0  }
0x5d: {  	[sflag:s20] =	ssyncadd.s32 $0xFFFFFF38  }
0x5e: {  	[tilespmem:s23], [sflag:$0x1] =	stream.indirect.gather [hbm4b:s1+s22], $0x80, s4, s22, $0xb8;
	[tilespmem:$0x1C600] =	vst v63  }
0x5f: {  	_ =	swait.ge [sflag:s24], $0x6400  }
.Ltmp1:
0x60: {  	[sflag:s24] =	ssyncset.done $0x0;
	(pc) =	sbr.rel @p0 .LBB2_4-.Ltmp1, $4  }
0x61: {  	[sflag:s24] =	ssyncadd.s32 $0xFFFF9C00  }
0x62: {  	[spmem:s3] =	stream.indirect.scatter.add.f32 [tilespmem:s23], [sflag:$0x2], $0x80, s21, s22, $0xb8;
	[tilespmem:$0x1C600] =	vst v63  }
0x63: {  	_ =	swait.ge [sflag:s20], $0x6400  }
0x64: {  	s28 =	smov.u32 s31;
	[sflag:s20] =	ssyncset.done $0x0  }
0x65: {  	s28 =	sadd.s32 s26, s18;
	[sflag:s20] =	ssyncadd.s32 $0xFFFF9C00  }
0x66: {  	[tilespmem:s4], [sflag:$0x2] =	stream.linear.gather [hbm4b:s28+s4], $0xC8, $0x38;
	[tilespmem:$0x1C600] =	vst v63  }
0x67: {  	_ =	swait.ge [sflag:s20], $0xC8  }
0x68: {  	[sflag:s20] =	ssyncset.done $0x0  }
0x69: {  	s29 =	sadd.s32 s26, s17;
	[sflag:s20] =	ssyncadd.s32 $0xFFFFFF38  }
0x6a: {  	[tilespmem:s21], [sflag:$0x2] =	stream.linear.gather [hbm4b:s29+s4], $0xC8, $0x38;
	[tilespmem:$0x1C600] =	vst v63  }
0x6b: {  	_ =	swait.ge [sflag:s20], $0xC8  }
0x6c: {  	[sflag:s20] =	ssyncset.done $0x0  }
0x6d: {  	[sflag:s20] =	ssyncadd.s32 $0xFFFFFF38  }
0x6e: {  	[tilespmem:s23], [sflag:$0x1] =	stream.indirect.gather [hbm4b:s1+s22], $0x80, s4, s22, $0xb8;
	[tilespmem:$0x1C600] =	vst v63  }
0x6f: {  	_ =	swait.ge [sflag:s24], $0x6400  }
0x70: {  	[sflag:s24] =	ssyncset.done $0x0  }
0x71: {  	[sflag:s24] =	ssyncadd.s32 $0xFFFF9C00  }
0x72: {  	[spmem:s3] =	stream.indirect.scatter.add.f32 [tilespmem:s23], [sflag:$0x2], $0x80, s21, s22, $0xb8;
	[tilespmem:$0x1C600] =	vst v63  }
0x73: {  	_ =	swait.ge [sflag:s20], $0x6400  }
0x74: {  	s30 =	sshll.u32 s0, $0x6;
	s25 =	sadd.s32 $0x1, s25;
	[sflag:s20] =	ssyncset.done $0x0  }
0x75: {  	s31 =	sshrl.u32 s5, $0x3;
	p0 =	sne.s32 s25, s16;
	[sflag:s20] =	ssyncadd.s32 $0xFFFF9C00  }
.Ltmp2:
0x76: {  	s26 =	sor.u32 $0x1C02, s30;
	[bflag:$0x0] =	sbarrier.arrive $0xFFFF;
	(pc) =	sbr.rel @p0 .LBB2_1-.Ltmp2, $4  }
0x77: {  	[hbm:s15], [sflag:s26] =	dma.local [spmem:s31], $0x2800  }
0x78: {  	_ =	swait.ge [sflag:s20], $0x2800  }
0x79: {  	[sflag:s20] =	ssyncset.done $0x0  }
0x7a: {  	[sflag:s20] =	ssyncadd.s32 $0xFFFFD800  }
0x7b: {  	_ =	sfence.sel $0x180000  }
0x7c: {  	[bflag:$0x0] =	sbarrier.arrive $0xFFFF  }
0x7d: {  	p0 =	sne.s32 s0, $0x0;
	_ =	strace $0x9000004A  }
0x7e: {  	s0 =	sadd.s32 @!p0 $0x100000, s2;
	[bflag:$0x2] =	sbarrier.arrive $0xFFFF  }
0x7f: {  	[sflag:s0] =	ssyncadd.tile.s32 @!p0 $0x1;
	_ =	shalt  }
.Lfunc_end2:
_tile_overlayer_lowered:
.L_overlay_start_2:
0x80: {  	(tag) =	ssettag $0x2  }
0x81: {  	s0 =	rddreg [dreg:$0x0];
	s2 =	stileid.u32  }
0x82: {  	s1 =	rddreg [dreg:$0x1];
	p0 =	sne.s32 s2, $0x0  }
0x83: {  	s3 =	rddreg [dreg:$0x2];
	[bflag:$0x3] =	sbarrier.arrive $0xFFFF;
	s2 =	simm.s32 @!p0 $0x1C02  }
0x84: {  	[timem:s3], [sflag:s2] =	dma.local @!p0 [hbm:s0], s1  }
0x85: {  	s0 =	simm.s32 @!p0 $0x2  }
0x86: {  	_ =	swait.ge @!p0 [sflag:s0], s1  }
0x87: {  	s1 =	ssub.s32 @!p0 $0x0, s1;
	[sflag:s0] =	ssyncset.done @!p0 $0x0  }
0x88: {  	[sflag:s0] =	ssyncadd.s32 @!p0 s1  }
0x89: {  	[bflag:$0x3] =	sbarrier.arrive $0xFFFF  }
0x8a: {  	_ =	shalt  }

// kernel: kernel.14.cloned.1.call-start
scs
__scs_entry_jumppad:
0x0: {  	(pc) =	sbr.rel $0x88, $3  }
0x1: {  	(tag) =	ssettag $0x0;
	lr =	simm.s32 $0x1  }
0x2: {  	[smem:$0x3F93] =	sst lr;
	_ =	strace $0xD0000000  }
0x3: {  	_ = 	snop  }
0x4: {  	_ = 	snop  }
0x5: {  	_ = 	snop  }
0x6: {  	_ = 	snop  }
0x7: {  	_ = 	snop  }
__scs_overlays_trampoline_lowered:
0x8: {  	[smem:$0x3FA2] =	sst s0  }
0x9: {  	[smem:$0x3FA3] =	sst s1  }
0xa: {  	[smem:$0x3FA4] =	sst s2  }
0xb: {  	[smem:$0x3FA5] =	sst s3  }
0xc: {  	[smem:$0x3FA6] =	sst s4  }
0xd: {  	[smem:$0x3FA7] =	sst s5  }
0xe: {  	[smem:$0x3FA8] =	sst s6  }
0xf: {  	[smem:$0x3FA9] =	sst s7  }
0x10: {  	[smem:$0x3FAA] =	sst s8  }
0x11: {  	[smem:$0x3FAB] =	sst s9;
	s0 =	simm.s32 @!p0 $0x0  }
0x12: {  	s1 =	sld [smem:$0x3F91];
	s0 =	simm.s32 @p0 $0x1  }
0x13: {  	[smem:$0x3FAC] =	sst s0;
	s0 =	simm.s32 @!p1 $0x0  }
0x14: {  	s2 =	sld [smem:$0x3F90];
	s0 =	simm.s32 @p1 $0x1  }
0x15: {  	[smem:$0x3FAD] =	sst s0;
	s0 =	simm.s32 @!p2 $0x0  }
0x16: {  	s3 =	sld [smem:$0x3FDB];
	s0 =	simm.s32 @p2 $0x1  }
0x17: {  	s4 =	simm.s32 $0x1BF5;
	[smem:$0x3FAF] =	sst s0  }
0x18: {  	s0 =	sld [smem:$0x3F92];
	_ =	swait.ge [sflag:s4], $0x0  }
0x19: {  	s7 =	sld [smem:$0x3F93]  }
0x1a: {  	s8 =	sadd.s32 $0xFFFFE003, lr  }
0x1b: {  	s9 =	sadd.s32 $0xFFFFFEF7, lr;
	s5 =	simm.s32 $0xFFFFFFFF;
	p2 =	slt.u32 s8, $0xFFFFF086  }
0x1c: {  	p1 =	slt.u32 s9, $0xF7A;
	s5 =	simm.s32 @!p2 $0x0  }
0x1d: {  	s5 =	simm.s32 @p1 $0x1;
	p0 =	seq.s32 s7, s2  }
0x1e: {  	s7 =	smul.u32 @!p0 $0xF7A, s2;
	p2 =	seq.s32 @!p0 s5, $0x0  }
0x1f: {  	s9 =	smul.u32 $0xF7A, s1;
	s8 =	simm.s32 @!p0 $0x1BF5;
	p2 =	por !p2, p0  }
0x20: {  	[sflag:s8] =	ssyncset.s32 @!p0 $0xFFFFF086;
	s6 =	sadd.s32 @!p0 s3, s7;
	s7 =	simm.s32 @!p0 $0x108  }
0x21: {  	s3 =	sadd.s32 s3, s9;
	s6 =	sadd.s32 @!p0 $0x88, s6;
	s7 =	simm.s32 @p2 $0x1082  }
0x22: {  	[simem:s7], [sflag:s8] =	dma.local @!p0 [hbm:s6], $0xF7A  }
0x23: {  	s9 =	sor.u32 $0xD0000000, s2;
	s6 =	simm.s32 $0x108;
	_ =	swait.ge @!p0 [sflag:s8], $0x0  }
0x24: {  	s3 =	sadd.s32 $0x88, s3;
	s6 =	simm.s32 @!p1 $0x1082;
	[sflag:s4] =	ssyncset.s32 $0xFFFFF086  }
0x25: {  	[simem:s6], [sflag:s4] =	dma.local [hbm:s3], $0xF7A  }
0x26: {  	[smem:$0x3F93] =	sst s1;
	(tag) =	ssettag s2;
	_ =	strace s9  }
0x27: {  	s1 =	sld [smem:$0x3FA3]  }
0x28: {  	s2 =	sld [smem:$0x3FA4]  }
0x29: {  	s4 =	sld [smem:$0x3FA6]  }
0x2a: {  	p0 =	seq.s32 s5, $0x0;
	s5 =	sld [smem:$0x3FA7]  }
0x2b: {  	s6 =	sld [smem:$0x3FA8]  }
0x2c: {  	s7 =	sld [smem:$0x3FA9]  }
0x2d: {  	s3 =	simm.s32 $0x108;
	s8 =	sld [smem:$0x3FAA]  }
0x2e: {  	s3 =	simm.s32 @!p0 $0x1082;
	s9 =	sld [smem:$0x3FAB]  }
0x2f: {  	lr =	sadd.s32 s0, s3;
	s0 =	sld [smem:$0x3FA2]  }
0x30: {  	s3 =	sld [smem:$0x3FA5]  }
0x31: {  	[smem:$0x3FAE] =	sst s10  }
0x32: {  	s10 =	sld [smem:$0x3FAC];
	_ =	sdelay $0x3  }
0x33: {  	p0 =	seq.s32 s10, $0x1;
	s10 =	sld [smem:$0x3FAE];
	_ =	sdelay $0x3  }
0x34: {  	[smem:$0x3FAE] =	sst s10  }
0x35: {  	s10 =	sld [smem:$0x3FAD];
	_ =	sdelay $0x3  }
0x36: {  	p1 =	seq.s32 s10, $0x1;
	s10 =	sld [smem:$0x3FAE];
	_ =	sdelay $0x3  }
0x37: {  	[smem:$0x3FAE] =	sst s10  }
0x38: {  	s10 =	sld [smem:$0x3FAF]  }
0x39: {  	_ = 	snop;
	(pc) =	sbr.ind lr, $3  }
0x3a: {  	_ = 	snop  }
0x3b: {  	_ = 	snop  }
0x3c: {  	p2 =	seq.s32 s10, $0x1;
	s10 =	sld [smem:$0x3FAE]  }
0x3d: {  	_ =	shalt  }
0x3e: {  	_ =	shalt  }
0x3f: {  	_ =	shalt  }
0x40: {  	_ =	shalt  }
0x41: {  	_ =	shalt  }
0x42: {  	_ =	shalt  }
0x43: {  	_ =	shalt  }
0x44: {  	_ =	shalt  }
0x45: {  	_ =	shalt  }
0x46: {  	_ =	shalt  }
0x47: {  	_ =	shalt  }
0x48: {  	_ =	shalt  }
0x49: {  	_ =	shalt  }
0x4a: {  	_ =	shalt  }
0x4b: {  	_ =	shalt  }
0x4c: {  	_ =	shalt  }
0x4d: {  	_ =	shalt  }
0x4e: {  	_ =	shalt  }
0x4f: {  	_ =	shalt  }
0x50: {  	_ =	shalt  }
0x51: {  	_ =	shalt  }
0x52: {  	_ =	shalt  }
0x53: {  	_ =	shalt  }
0x54: {  	_ =	shalt  }
0x55: {  	_ =	shalt  }
0x56: {  	_ =	shalt  }
0x57: {  	_ =	shalt  }
0x58: {  	_ =	shalt  }
0x59: {  	_ =	shalt  }
0x5a: {  	_ =	shalt  }
0x5b: {  	_ =	shalt  }
0x5c: {  	_ =	shalt  }
0x5d: {  	_ =	shalt  }
0x5e: {  	_ =	shalt  }
0x5f: {  	_ =	shalt  }
0x60: {  	_ =	shalt  }
0x61: {  	_ =	shalt  }
0x62: {  	_ =	shalt  }
0x63: {  	_ =	shalt  }
0x64: {  	_ =	shalt  }
0x65: {  	_ =	shalt  }
0x66: {  	_ =	shalt  }
0x67: {  	_ =	shalt  }
0x68: {  	_ =	shalt  }
0x69: {  	_ =	shalt  }
0x6a: {  	_ =	shalt  }
0x6b: {  	_ =	shalt  }
0x6c: {  	_ =	shalt  }
0x6d: {  	_ =	shalt  }
0x6e: {  	_ =	shalt  }
0x6f: {  	_ =	shalt  }
0x70: {  	_ =	shalt  }
0x71: {  	_ =	shalt  }
0x72: {  	_ =	shalt  }
0x73: {  	_ =	shalt  }
0x74: {  	_ =	shalt  }
0x75: {  	_ =	shalt  }
0x76: {  	_ =	shalt  }
0x77: {  	_ =	shalt  }
0x78: {  	_ =	shalt  }
0x79: {  	_ =	shalt  }
0x7a: {  	_ =	shalt  }
0x7b: {  	_ =	shalt  }
0x7c: {  	_ =	shalt  }
0x7d: {  	_ =	shalt  }
0x7e: {  	_ =	shalt  }
0x7f: {  	_ =	shalt  }
0x80: {  	_ =	shalt  }
0x81: {  	_ =	shalt  }
0x82: {  	_ =	shalt  }
0x83: {  	_ =	shalt  }
0x84: {  	_ =	shalt  }
0x85: {  	_ =	shalt  }
0x86: {  	_ =	shalt  }
0x87: {  	_ =	shalt  }
.Lfunc_end0:
.L_simem_size_0:
called_computation.2_lowered:
.L_overlay_start_0:
0x88: {  	s2 =	sld [smem:$0x3FD9]  }
0x89: {  	s3 =	sld [smem:$0x3FFE];
	_ =	sdelay $0x1  }
0x8a: {  	s1 =	srdreg.scid  }
0x8b: {  	s0 =	sand.u32 $0x1, s1  }
0x8c: {  	s14 =	sshll.u32 s0, $0xA;
	s2 =	sadd.s32 s3, s2  }
0x8d: {  	s2 =	sadd.s32 s2, s14  }
0x8e: {  	[smem:$0x3FBA] =	sst s2  }
0x8f: {  	_ = 	snop  }
0x90: {  	s2 =	sld [smem:$0x3FD0];
	_ =	sdelay $0x2  }
0x91: {  	s15 =	simm.s32 $0xA;
	s4 =	simm.s32 $0x10  }
0x92: {  	[smem:s4], [sflag:s15] =	dma.local [hbm:s2], $0x1  }
0x93: {  	_ =	swait.eq [sflag:s15], $0x1  }
0x94: {  	[sflag:s15] =	ssyncset.done $0x0  }
0x95: {  	[sflag:s15] =	ssyncadd.s32 $0xFFFFFFFF  }
0x96: {  	s16 =	sld [smem:$0x12];
	(tm) =	ssettm $0x1  }
0x97: {  	s17 =	sld [smem:$0x3FFB];
	_ =	sdelay $0x3  }
0x98: {  	_ =	strace s17  }
0x99: {  	s3 =	sld [smem:$0x3FFC];
	_ =	sdelay $0x3  }
0x9a: {  	_ =	strace s3  }
0x9b: {  	s3 =	sld [smem:$0x3FFD];
	_ =	sdelay $0x3  }
0x9c: {  	_ =	strace s3  }
0x9d: {  	_ =	strace $0x8FFFFFFF  }
0x9e: {  	s18 =	sld [smem:$0x3FDB];
	_ =	sdelay $0x1  }
0x9f: {  	s19 =	simm.s32 $_scs_section_size  }
0xa0: {  	s5 =	simm.s32 $_size__tile_overlayer_lowered;
	s6 =	simm.s32 $_tile_overlayer_lowered  }
0xa1: {  	s22 =	simm.s32 $0x1BFF;
	s21 =	sshll.u32 s6, $0x1;
	s3 =	sadd.s32 s19, s18  }
0xa2: {  	s7 =	simm.s32 $0x0;
	s20 =	sshll.u32 s5, $0x1;
	s5 =	sadd.s32 s21, s3  }
0xa3: {  	[timem:s7], [sflag:s22] =	dma.local [hbm:s5], s20  }
0xa4: {  	_ =	swait.ge [sflag:s22], s20  }
0xa5: {  	s4 =	ssub.s32 $0x0, s20;
	[sflag:s22] =	ssyncset.done $0x0  }
0xa6: {  	[sflag:s22] =	ssyncadd.s32 s4;
	_ =	sdelay $0x1  }
0xa7: {  	s23 =	simm.s32 $0x1B8B  }
0xa8: {  	_ =	swait.ge [sflag:s23], $0x1  }
0xa9: {  	[sflag:s23] =	ssyncset.done $0x0  }
0xaa: {  	s25 =	simm.s32 $0x1B8E;
	s24 =	sld [smem:$0x3FFE];
	[sflag:s23] =	ssyncadd.s32 $0xFFFFFFFF  }
0xab: {  	s26 =	simm.s32 $execute0_lowered;
	[smem:$0x3FD2] =	sst s25  }
0xac: {  	s5 =	sshll.u32 s26, $0x1;
	_ =	strace $0x8000004C;
	[dreg:$0x1] =	wrdreg $0xFFFFFFFF  }
0xad: {  	s28 =	simm.s32 $_size_execute0_lowered;
	s3 =	sadd.s32 s3, s5;
	[dreg:$0x0] =	wrdreg $0x0  }
0xae: {  	s5 =	sshll.u32 s28, $0x1;
	[dreg:$0x2] =	wrdreg s3  }
0xaf: {  	[dreg:$0x3] =	wrdreg s5  }
0xb0: {  	[dreg:$0x4] =	wrdreg $0xC0  }
0xb1: {  	_ =	task [dreg:s7], $0x5FFFF  }
0xb2: {  	[dreg:$0x1] =	wrdreg $0xFFFFFFFF  }
0xb3: {  	[dreg:$0x0] =	wrdreg $0x60  }
0xb4: {  	[dreg:$0x2] =	wrdreg s16  }
0xb5: {  	[dreg:$0x3] =	wrdreg s24  }
0xb6: {  	[dreg:$0x4] =	wrdreg $0x86000  }
0xb7: {  	[dreg:$0x5] =	wrdreg $0x9  }
0xb8: {  	_ =	task.clear_ibuf [dreg:s7], $0x6FFFF;
	_ =	strace $0x9000004C  }
0xb9: {  	s29 =	simm.s32 $0x9;
	_ =	strace $0x8000004E  }
0xba: {  	_ =	swait.ge [sflag:s29], $0x1  }
0xbb: {  	[sflag:s29] =	ssyncadd.s32 $0xFFFFFFFF  }
0xbc: {  	_ =	strace $0x9000004E  }
0xbd: {  	_ =	sfence  }
0xbe: {  	s30 =	sld [smem:$0x0];
	_ =	sdelay $0x2  }
0xbf: {  	s31 =	sshll.u32 s1, $0xD;
	s1 =	sshrl.u32 s1, $0x2  }
0xc0: {  	s3 =	sand.u32 $0x4000, s31;
	s1 =	sadd.s32 s1, s30  }
0xc1: {  	s0 =	sor.u32 s3, s0;
	s1 =	sshll.u32 s1, $0x11  }
0xc2: {  	s0 =	sor.u32 s1, s0  }
0xc3: {  	s0 =	sadd.s32 $0x8F2B, s0  }
0xc4: {  	[sflag:s0] =	ssyncadd.remote.s32 $0x1  }
0xc5: {  	_ =	sfence.sel $0xFFFF  }
0xc6: {  	[dreg:$0x0] =	wrdreg $0xFFFFFFFF;
	(pc) =	sbr.abs _section_cstart, $3  }
0xc7: {  	[dreg:$0x1] =	wrdreg $0xFFFFFFFF  }
0xc8: {  	_ =	task.clear_ibuf [dreg:s7], $0x2FFFF;
	_ =	strace $0x9FFFFFFF  }
0xc9: {  	(tm) =	ssettm $0x7FFFFFFF  }
tec
execute0_lowered:
.L_overlay_start_1:
0x0: {  	(tag) =	ssettag $0x1  }
0x1: {  	s1 =	rddreg [dreg:$0x0];
	s2 =	srdreg.scid  }
0x2: {  	s0 =	stileid.u32;
	s5 =	rddreg [dreg:$0x1]  }
0x3: {  	s3 =	rddreg [dreg:$0x2];
	s4 =	simm.s32 $0x0;
	s19 =	simm.s32 $0x6600  }
0x4: {  	s20 =	simm.s32 $0x2;
	s21 =	simm.s32 $0x100;
	s7 =	smul.u32 $0x4E20, s0  }
0x5: {  	s22 =	simm.s32 $0xC8;
	s23 =	simm.s32 $0x200;
	s28 =	smul.u32 $0x14000, s0  }
0x6: {  	s24 =	simm.s32 $0x1;
	s6 =	sand.u32 $0x1, s2;
	s10 =	smul.u32 $0x50000, s0  }
0x7: {  	s25 =	simm.s32 $0x0;
	[smem:$0x7FF] =	sst s4;
	s8 =	smul.u32 $0x2710, s6  }
0x8: {  	s2 =	rddreg [dreg:$0x3];
	s9 =	smul.u32 $0x140000, s6;
	_ =	strace $0x8000004D  }
0x9: {  	s6 =	ssub.s32 $0x2, s6;
	s30 =	sshrl.u32 s10, $0x2;
	s7 =	sadd.s32 s8, s7  }
0xa: {  	s31 =	sshrl.u32 s6, $0x1;
	s29 =	sadd.s32 s28, s9;
	s7 =	sshrl.u32 s7, $0x3  }
0xb: {  	s16 =	ssub.s32 s6, s31;
	s18 =	sadd.s32 s7, s5;
	s7 =	sshrl.u32 s29, $0x3  }
0xc: {  	s16 =	smax.u32 s16, $0x1;
	s15 =	sadd.s32 s7, s5;
	s5 =	sadd.s32 s30, s3  }
0xd: {  	s17 =	sadd.s32 $0xBC00, s18;
	s18 =	sadd.s32 $0x1E00, s18;
	s6 =	sadd.s32 $0x2000, s5  }
0xe: {  	s7 =	sadd.s32 $0x4000, s5;
	s8 =	sadd.s32 $0x6000, s5;
	s9 =	sadd.s32 $0x8000, s5  }
0xf: {  	s10 =	sadd.s32 $0xA000, s5;
	s11 =	sadd.s32 $0xC000, s5;
	s12 =	sadd.s32 $0xE000, s5  }
0x10: {  	v0 =	vimm.f32 $0.0e+00;
	s13 =	sadd.s32 $0x10000, s5;
	s14 =	sadd.s32 $0x12000, s5;
	s15 =	sadd.s32 $0x15A00, s15  }
.LBB2_1:
0x11: {  	s26 =	sand.u32 $0x7E00, s4  }
0x12: {  	s28 =	sand.u32 $0x70, s4;
	s29 =	sshrl.u32 s26, $0x2  }
0x13: {  	s26 =	simm.s32 $0x40;
	s29 =	sor.u32 s28, s29;
	s28 =	simm.s32 $0x0  }
.LBB2_2:
0x14: {  	p0 =	sne.s32 s26, $0x7FC0  }
0x15: {  	[tilespmem:s29+$0x6600] =	vst v0;
	s28 =	sadd.s32 $0x10, s28;
	s29 =	smov.u32 s26;
	s26 =	sadd.s32 $0x40, s26  }
.Ltmp0:
0x16: {  	(pc) =	sbr.rel @p0 .LBB2_2-.Ltmp0, $4  }
0x17: {  	_ = 	snop  }
0x18: {  	s29 =	sand.u32 $0x7E00, s29  }
0x19: {  	s30 =	sand.u32 $0x70, s28;
	s29 =	sshrl.u32 s29, $0x2  }
0x1a: {  	s29 =	sor.u32 s30, s29  }
0x1b: {  	[tilespmem:s29+$0x6600] =	vst v0  }
0x1c: {  	[spmem:s5] =	stream.linear.scatter [tilespmem:s19], [sflag:$0x2], $0x2000, $0x38;
	[tilespmem:$0x1C600] =	vst v63  }
0x1d: {  	_ =	swait.ge [sflag:s20], $0x2000  }
0x1e: {  	[sflag:s20] =	ssyncset.done $0x0  }
0x1f: {  	[sflag:s20] =	ssyncadd.s32 $0xFFFFE000  }
0x20: {  	[spmem:s6] =	stream.linear.scatter [tilespmem:s19], [sflag:$0x2], $0x2000, $0x38;
	[tilespmem:$0x1C600] =	vst v63  }
0x21: {  	_ =	swait.ge [sflag:s20], $0x2000  }
0x22: {  	[sflag:s20] =	ssyncset.done $0x0  }
0x23: {  	[sflag:s20] =	ssyncadd.s32 $0xFFFFE000  }
0x24: {  	[spmem:s7] =	stream.linear.scatter [tilespmem:s19], [sflag:$0x2], $0x2000, $0x38;
	[tilespmem:$0x1C600] =	vst v63  }
0x25: {  	_ =	swait.ge [sflag:s20], $0x2000  }
0x26: {  	[sflag:s20] =	ssyncset.done $0x0  }
0x27: {  	[sflag:s20] =	ssyncadd.s32 $0xFFFFE000  }
0x28: {  	[spmem:s8] =	stream.linear.scatter [tilespmem:s19], [sflag:$0x2], $0x2000, $0x38;
	[tilespmem:$0x1C600] =	vst v63  }
0x29: {  	_ =	swait.ge [sflag:s20], $0x2000  }
0x2a: {  	[sflag:s20] =	ssyncset.done $0x0  }
0x2b: {  	[sflag:s20] =	ssyncadd.s32 $0xFFFFE000  }
0x2c: {  	[spmem:s9] =	stream.linear.scatter [tilespmem:s19], [sflag:$0x2], $0x2000, $0x38;
	[tilespmem:$0x1C600] =	vst v63  }
0x2d: {  	_ =	swait.ge [sflag:s20], $0x2000  }
0x2e: {  	[sflag:s20] =	ssyncset.done $0x0  }
0x2f: {  	[sflag:s20] =	ssyncadd.s32 $0xFFFFE000  }
0x30: {  	[spmem:s10] =	stream.linear.scatter [tilespmem:s19], [sflag:$0x2], $0x2000, $0x38;
	[tilespmem:$0x1C600] =	vst v63  }
0x31: {  	_ =	swait.ge [sflag:s20], $0x2000  }
0x32: {  	[sflag:s20] =	ssyncset.done $0x0  }
0x33: {  	[sflag:s20] =	ssyncadd.s32 $0xFFFFE000  }
0x34: {  	[spmem:s11] =	stream.linear.scatter [tilespmem:s19], [sflag:$0x2], $0x2000, $0x38;
	[tilespmem:$0x1C600] =	vst v63  }
0x35: {  	_ =	swait.ge [sflag:s20], $0x2000  }
0x36: {  	[sflag:s20] =	ssyncset.done $0x0  }
0x37: {  	[sflag:s20] =	ssyncadd.s32 $0xFFFFE000  }
0x38: {  	[spmem:s12] =	stream.linear.scatter [tilespmem:s19], [sflag:$0x2], $0x2000, $0x38;
	[tilespmem:$0x1C600] =	vst v63  }
0x39: {  	_ =	swait.ge [sflag:s20], $0x2000  }
0x3a: {  	[sflag:s20] =	ssyncset.done $0x0  }
0x3b: {  	[sflag:s20] =	ssyncadd.s32 $0xFFFFE000  }
0x3c: {  	[spmem:s13] =	stream.linear.scatter [tilespmem:s19], [sflag:$0x2], $0x2000, $0x38;
	[tilespmem:$0x1C600] =	vst v63  }
0x3d: {  	_ =	swait.ge [sflag:s20], $0x2000  }
0x3e: {  	[sflag:s20] =	ssyncset.done $0x0  }
0x3f: {  	[sflag:s20] =	ssyncadd.s32 $0xFFFFE000  }
0x40: {  	[spmem:s14] =	stream.linear.scatter [tilespmem:s19], [sflag:$0x2], $0x2000, $0x38;
	[tilespmem:$0x1C600] =	vst v63  }
0x41: {  	_ =	swait.ge [sflag:s20], $0x2000  }
0x42: {  	[sflag:s20] =	ssyncset.done $0x0  }
0x43: {  	[sflag:s20] =	ssyncadd.s32 $0xFFFFE000  }
0x44: {  	s26 =	sadd.s32 $0x0, s18;
	[bflag:$0x0] =	sbarrier.arrive $0xFFFF  }
0x45: {  	[tilespmem:s4], [sflag:$0x2] =	stream.linear.gather [hbm4b:s26+s4], $0xC8, $0x38;
	[tilespmem:$0x1C600] =	vst v63  }
0x46: {  	_ =	swait.ge [sflag:s20], $0xC8  }
0x47: {  	[sflag:s20] =	ssyncset.done $0x0  }
0x48: {  	s31 =	sadd.s32 $0x0, s17;
	[sflag:s20] =	ssyncadd.s32 $0xFFFFFF38  }
0x49: {  	[tilespmem:s21], [sflag:$0x2] =	stream.linear.gather [hbm4b:s31+s4], $0xC8, $0x38;
	[tilespmem:$0x1C600] =	vst v63  }
0x4a: {  	_ =	swait.ge [sflag:s20], $0xC8  }
0x4b: {  	[sflag:s20] =	ssyncset.done $0x0  }
0x4c: {  	[sflag:s20] =	ssyncadd.s32 $0xFFFFFF38  }
0x4d: {  	[tilespmem:s23], [sflag:$0x1] =	stream.indirect.gather [hbm4b:s1+s22], $0x80, s4, s22, $0xb8;
	[tilespmem:$0x1C600] =	vst v63  }
0x4e: {  	_ =	swait.ge [sflag:s24], $0x6400  }
0x4f: {  	[sflag:s24] =	ssyncset.done $0x0  }
0x50: {  	[sflag:s24] =	ssyncadd.s32 $0xFFFF9C00  }
0x51: {  	[spmem:s3] =	stream.indirect.scatter.add.f32 [tilespmem:s23], [sflag:$0x2], $0x80, s21, s22, $0xb8;
	[tilespmem:$0x1C600] =	vst v63  }
0x52: {  	_ =	swait.ge [sflag:s20], $0x6400  }
0x53: {  	s28 =	simm.s32 $0x32;
	s26 =	simm.s32 $0x19;
	[sflag:s20] =	ssyncset.done $0x0  }
.LBB2_4:
0x54: {  	s29 =	sadd.s32 s26, s18  }
0x55: {  	[sflag:s20] =	ssyncadd.s32 $0xFFFF9C00;
	s30 =	smov.u32 s28;
	s31 =	sadd.s32 $0x19, s28  }
0x56: {  	[tilespmem:s4], [sflag:$0x2] =	stream.linear.gather [hbm4b:s29+s4], $0xC8, $0x38;
	[tilespmem:$0x1C600] =	vst v63  }
0x57: {  	p0 =	sne.s32 s28, $0x4C9;
	_ =	swait.ge [sflag:s20], $0xC8  }
0x58: {  	[sflag:s20] =	ssyncset.done $0x0  }
0x59: {  	s28 =	sadd.s32 s26, s17;
	s26 =	smov.u32 s30;
	[sflag:s20] =	ssyncadd.s32 $0xFFFFFF38  }
0x5a: {  	[tilespmem:s21], [sflag:$0x2] =	stream.linear.gather [hbm4b:s28+s4], $0xC8, $0x38;
	[tilespmem:$0x1C600] =	vst v63  }
0x5b: {  	_ =	swait.ge [sflag:s20], $0xC8  }
0x5c: {  	[sflag:s20] =	ssyncset.done $0x0  }
0x5d: {  	[sflag:s20] =	ssyncadd.s32 $0xFFFFFF38  }
0x5e: {  	[tilespmem:s23], [sflag:$0x1] =	stream.indirect.gather [hbm4b:s1+s22], $0x80, s4, s22, $0xb8;
	[tilespmem:$0x1C600] =	vst v63  }
0x5f: {  	_ =	swait.ge [sflag:s24], $0x6400  }
.Ltmp1:
0x60: {  	[sflag:s24] =	ssyncset.done $0x0;
	(pc) =	sbr.rel @p0 .LBB2_4-.Ltmp1, $4  }
0x61: {  	[sflag:s24] =	ssyncadd.s32 $0xFFFF9C00  }
0x62: {  	[spmem:s3] =	stream.indirect.scatter.add.f32 [tilespmem:s23], [sflag:$0x2], $0x80, s21, s22, $0xb8;
	[tilespmem:$0x1C600] =	vst v63  }
0x63: {  	_ =	swait.ge [sflag:s20], $0x6400  }
0x64: {  	s28 =	smov.u32 s31;
	[sflag:s20] =	ssyncset.done $0x0  }
0x65: {  	s28 =	sadd.s32 s26, s18;
	[sflag:s20] =	ssyncadd.s32 $0xFFFF9C00  }
0x66: {  	[tilespmem:s4], [sflag:$0x2] =	stream.linear.gather [hbm4b:s28+s4], $0xC8, $0x38;
	[tilespmem:$0x1C600] =	vst v63  }
0x67: {  	_ =	swait.ge [sflag:s20], $0xC8  }
0x68: {  	[sflag:s20] =	ssyncset.done $0x0  }
0x69: {  	s29 =	sadd.s32 s26, s17;
	[sflag:s20] =	ssyncadd.s32 $0xFFFFFF38  }
0x6a: {  	[tilespmem:s21], [sflag:$0x2] =	stream.linear.gather [hbm4b:s29+s4], $0xC8, $0x38;
	[tilespmem:$0x1C600] =	vst v63  }
0x6b: {  	_ =	swait.ge [sflag:s20], $0xC8  }
0x6c: {  	[sflag:s20] =	ssyncset.done $0x0  }
0x6d: {  	[sflag:s20] =	ssyncadd.s32 $0xFFFFFF38  }
0x6e: {  	[tilespmem:s23], [sflag:$0x1] =	stream.indirect.gather [hbm4b:s1+s22], $0x80, s4, s22, $0xb8;
	[tilespmem:$0x1C600] =	vst v63  }
0x6f: {  	_ =	swait.ge [sflag:s24], $0x6400  }
0x70: {  	[sflag:s24] =	ssyncset.done $0x0  }
0x71: {  	[sflag:s24] =	ssyncadd.s32 $0xFFFF9C00  }
0x72: {  	[spmem:s3] =	stream.indirect.scatter.add.f32 [tilespmem:s23], [sflag:$0x2], $0x80, s21, s22, $0xb8;
	[tilespmem:$0x1C600] =	vst v63  }
0x73: {  	_ =	swait.ge [sflag:s20], $0x6400  }
0x74: {  	s30 =	sshll.u32 s0, $0x6;
	s25 =	sadd.s32 $0x1, s25;
	[sflag:s20] =	ssyncset.done $0x0  }
0x75: {  	s31 =	sshrl.u32 s5, $0x3;
	p0 =	sne.s32 s25, s16;
	[sflag:s20] =	ssyncadd.s32 $0xFFFF9C00  }
.Ltmp2:
0x76: {  	s26 =	sor.u32 $0x1C02, s30;
	[bflag:$0x0] =	sbarrier.arrive $0xFFFF;
	(pc) =	sbr.rel @p0 .LBB2_1-.Ltmp2, $4  }
0x77: {  	[hbm:s15], [sflag:s26] =	dma.local [spmem:s31], $0x2800  }
0x78: {  	_ =	swait.ge [sflag:s20], $0x2800  }
0x79: {  	[sflag:s20] =	ssyncset.done $0x0  }
0x7a: {  	[sflag:s20] =	ssyncadd.s32 $0xFFFFD800  }
0x7b: {  	_ =	sfence.sel $0x180000  }
0x7c: {  	[bflag:$0x0] =	sbarrier.arrive $0xFFFF  }
0x7d: {  	p0 =	sne.s32 s0, $0x0;
	_ =	strace $0x9000004D  }
0x7e: {  	s0 =	sadd.s32 @!p0 $0x100000, s2;
	[bflag:$0x2] =	sbarrier.arrive $0xFFFF  }
0x7f: {  	[sflag:s0] =	ssyncadd.tile.s32 @!p0 $0x1;
	_ =	shalt  }
.Lfunc_end2:
_tile_overlayer_lowered:
.L_overlay_start_2:
0x80: {  	(tag) =	ssettag $0x2  }
0x81: {  	s0 =	rddreg [dreg:$0x0];
	s2 =	stileid.u32  }
0x82: {  	s1 =	rddreg [dreg:$0x1];
	p0 =	sne.s32 s2, $0x0  }
0x83: {  	s3 =	rddreg [dreg:$0x2];
	[bflag:$0x3] =	sbarrier.arrive $0xFFFF;
	s2 =	simm.s32 @!p0 $0x1C02  }
0x84: {  	[timem:s3], [sflag:s2] =	dma.local @!p0 [hbm:s0], s1  }
0x85: {  	s0 =	simm.s32 @!p0 $0x2  }
0x86: {  	_ =	swait.ge @!p0 [sflag:s0], s1  }
0x87: {  	s1 =	ssub.s32 @!p0 $0x0, s1;
	[sflag:s0] =	ssyncset.done @!p0 $0x0  }
0x88: {  	[sflag:s0] =	ssyncadd.s32 @!p0 s1  }
0x89: {  	[bflag:$0x3] =	sbarrier.arrive $0xFFFF  }
0x8a: {  	_ =	shalt  }

// kernel: kernel.8.cloned.1.call-start
scs
__scs_entry_jumppad:
0x0: {  	(pc) =	sbr.rel $0x88, $3  }
0x1: {  	(tag) =	ssettag $0x0;
	lr =	simm.s32 $0x1  }
0x2: {  	[smem:$0x3F93] =	sst lr;
	_ =	strace $0xD0000000  }
0x3: {  	_ = 	snop  }
0x4: {  	_ = 	snop  }
0x5: {  	_ = 	snop  }
0x6: {  	_ = 	snop  }
0x7: {  	_ = 	snop  }
__scs_overlays_trampoline_lowered:
0x8: {  	[smem:$0x3FA2] =	sst s0  }
0x9: {  	[smem:$0x3FA3] =	sst s1  }
0xa: {  	[smem:$0x3FA4] =	sst s2  }
0xb: {  	[smem:$0x3FA5] =	sst s3  }
0xc: {  	[smem:$0x3FA6] =	sst s4  }
0xd: {  	[smem:$0x3FA7] =	sst s5  }
0xe: {  	[smem:$0x3FA8] =	sst s6  }
0xf: {  	[smem:$0x3FA9] =	sst s7  }
0x10: {  	[smem:$0x3FAA] =	sst s8  }
0x11: {  	[smem:$0x3FAB] =	sst s9;
	s0 =	simm.s32 @!p0 $0x0  }
0x12: {  	s1 =	sld [smem:$0x3F91];
	s0 =	simm.s32 @p0 $0x1  }
0x13: {  	[smem:$0x3FAC] =	sst s0;
	s0 =	simm.s32 @!p1 $0x0  }
0x14: {  	s2 =	sld [smem:$0x3F90];
	s0 =	simm.s32 @p1 $0x1  }
0x15: {  	[smem:$0x3FAD] =	sst s0;
	s0 =	simm.s32 @!p2 $0x0  }
0x16: {  	s3 =	sld [smem:$0x3FDB];
	s0 =	simm.s32 @p2 $0x1  }
0x17: {  	s4 =	simm.s32 $0x1BF5;
	[smem:$0x3FAF] =	sst s0  }
0x18: {  	s0 =	sld [smem:$0x3F92];
	_ =	swait.ge [sflag:s4], $0x0  }
0x19: {  	s7 =	sld [smem:$0x3F93]  }
0x1a: {  	s8 =	sadd.s32 $0xFFFFE003, lr  }
0x1b: {  	s9 =	sadd.s32 $0xFFFFFEF7, lr;
	s5 =	simm.s32 $0xFFFFFFFF;
	p2 =	slt.u32 s8, $0xFFFFF086  }
0x1c: {  	p1 =	slt.u32 s9, $0xF7A;
	s5 =	simm.s32 @!p2 $0x0  }
0x1d: {  	s5 =	simm.s32 @p1 $0x1;
	p0 =	seq.s32 s7, s2  }
0x1e: {  	s7 =	smul.u32 @!p0 $0xF7A, s2;
	p2 =	seq.s32 @!p0 s5, $0x0  }
0x1f: {  	s9 =	smul.u32 $0xF7A, s1;
	s8 =	simm.s32 @!p0 $0x1BF5;
	p2 =	por !p2, p0  }
0x20: {  	[sflag:s8] =	ssyncset.s32 @!p0 $0xFFFFF086;
	s6 =	sadd.s32 @!p0 s3, s7;
	s7 =	simm.s32 @!p0 $0x108  }
0x21: {  	s3 =	sadd.s32 s3, s9;
	s6 =	sadd.s32 @!p0 $0x88, s6;
	s7 =	simm.s32 @p2 $0x1082  }
0x22: {  	[simem:s7], [sflag:s8] =	dma.local @!p0 [hbm:s6], $0xF7A  }
0x23: {  	s9 =	sor.u32 $0xD0000000, s2;
	s6 =	simm.s32 $0x108;
	_ =	swait.ge @!p0 [sflag:s8], $0x0  }
0x24: {  	s3 =	sadd.s32 $0x88, s3;
	s6 =	simm.s32 @!p1 $0x1082;
	[sflag:s4] =	ssyncset.s32 $0xFFFFF086  }
0x25: {  	[simem:s6], [sflag:s4] =	dma.local [hbm:s3], $0xF7A  }
0x26: {  	[smem:$0x3F93] =	sst s1;
	(tag) =	ssettag s2;
	_ =	strace s9  }
0x27: {  	s1 =	sld [smem:$0x3FA3]  }
0x28: {  	s2 =	sld [smem:$0x3FA4]  }
0x29: {  	s4 =	sld [smem:$0x3FA6]  }
0x2a: {  	p0 =	seq.s32 s5, $0x0;
	s5 =	sld [smem:$0x3FA7]  }
0x2b: {  	s6 =	sld [smem:$0x3FA8]  }
0x2c: {  	s7 =	sld [smem:$0x3FA9]  }
0x2d: {  	s3 =	simm.s32 $0x108;
	s8 =	sld [smem:$0x3FAA]  }
0x2e: {  	s3 =	simm.s32 @!p0 $0x1082;
	s9 =	sld [smem:$0x3FAB]  }
0x2f: {  	lr =	sadd.s32 s0, s3;
	s0 =	sld [smem:$0x3FA2]  }
0x30: {  	s3 =	sld [smem:$0x3FA5]  }
0x31: {  	[smem:$0x3FAE] =	sst s10  }
0x32: {  	s10 =	sld [smem:$0x3FAC];
	_ =	sdelay $0x3  }
0x33: {  	p0 =	seq.s32 s10, $0x1;
	s10 =	sld [smem:$0x3FAE];
	_ =	sdelay $0x3  }
0x34: {  	[smem:$0x3FAE] =	sst s10  }
0x35: {  	s10 =	sld [smem:$0x3FAD];
	_ =	sdelay $0x3  }
0x36: {  	p1 =	seq.s32 s10, $0x1;
	s10 =	sld [smem:$0x3FAE];
	_ =	sdelay $0x3  }
0x37: {  	[smem:$0x3FAE] =	sst s10  }
0x38: {  	s10 =	sld [smem:$0x3FAF]  }
0x39: {  	_ = 	snop;
	(pc) =	sbr.ind lr, $3  }
0x3a: {  	_ = 	snop  }
0x3b: {  	_ = 	snop  }
0x3c: {  	p2 =	seq.s32 s10, $0x1;
	s10 =	sld [smem:$0x3FAE]  }
0x3d: {  	_ =	shalt  }
0x3e: {  	_ =	shalt  }
0x3f: {  	_ =	shalt  }
0x40: {  	_ =	shalt  }
0x41: {  	_ =	shalt  }
0x42: {  	_ =	shalt  }
0x43: {  	_ =	shalt  }
0x44: {  	_ =	shalt  }
0x45: {  	_ =	shalt  }
0x46: {  	_ =	shalt  }
0x47: {  	_ =	shalt  }
0x48: {  	_ =	shalt  }
0x49: {  	_ =	shalt  }
0x4a: {  	_ =	shalt  }
0x4b: {  	_ =	shalt  }
0x4c: {  	_ =	shalt  }
0x4d: {  	_ =	shalt  }
0x4e: {  	_ =	shalt  }
0x4f: {  	_ =	shalt  }
0x50: {  	_ =	shalt  }
0x51: {  	_ =	shalt  }
0x52: {  	_ =	shalt  }
0x53: {  	_ =	shalt  }
0x54: {  	_ =	shalt  }
0x55: {  	_ =	shalt  }
0x56: {  	_ =	shalt  }
0x57: {  	_ =	shalt  }
0x58: {  	_ =	shalt  }
0x59: {  	_ =	shalt  }
0x5a: {  	_ =	shalt  }
0x5b: {  	_ =	shalt  }
0x5c: {  	_ =	shalt  }
0x5d: {  	_ =	shalt  }
0x5e: {  	_ =	shalt  }
0x5f: {  	_ =	shalt  }
0x60: {  	_ =	shalt  }
0x61: {  	_ =	shalt  }
0x62: {  	_ =	shalt  }
0x63: {  	_ =	shalt  }
0x64: {  	_ =	shalt  }
0x65: {  	_ =	shalt  }
0x66: {  	_ =	shalt  }
0x67: {  	_ =	shalt  }
0x68: {  	_ =	shalt  }
0x69: {  	_ =	shalt  }
0x6a: {  	_ =	shalt  }
0x6b: {  	_ =	shalt  }
0x6c: {  	_ =	shalt  }
0x6d: {  	_ =	shalt  }
0x6e: {  	_ =	shalt  }
0x6f: {  	_ =	shalt  }
0x70: {  	_ =	shalt  }
0x71: {  	_ =	shalt  }
0x72: {  	_ =	shalt  }
0x73: {  	_ =	shalt  }
0x74: {  	_ =	shalt  }
0x75: {  	_ =	shalt  }
0x76: {  	_ =	shalt  }
0x77: {  	_ =	shalt  }
0x78: {  	_ =	shalt  }
0x79: {  	_ =	shalt  }
0x7a: {  	_ =	shalt  }
0x7b: {  	_ =	shalt  }
0x7c: {  	_ =	shalt  }
0x7d: {  	_ =	shalt  }
0x7e: {  	_ =	shalt  }
0x7f: {  	_ =	shalt  }
0x80: {  	_ =	shalt  }
0x81: {  	_ =	shalt  }
0x82: {  	_ =	shalt  }
0x83: {  	_ =	shalt  }
0x84: {  	_ =	shalt  }
0x85: {  	_ =	shalt  }
0x86: {  	_ =	shalt  }
0x87: {  	_ =	shalt  }
.Lfunc_end0:
.L_simem_size_0:
called_computation_lowered:
.L_overlay_start_0:
0x88: {  	s2 =	sld [smem:$0x3FD9]  }
0x89: {  	s3 =	sld [smem:$0x3FFE];
	_ =	sdelay $0x1  }
0x8a: {  	s1 =	srdreg.scid  }
0x8b: {  	s0 =	sand.u32 $0x1, s1  }
0x8c: {  	s14 =	sshll.u32 s0, $0xA;
	s2 =	sadd.s32 s3, s2  }
0x8d: {  	s2 =	sadd.s32 s2, s14  }
0x8e: {  	[smem:$0x3FBA] =	sst s2  }
0x8f: {  	_ = 	snop  }
0x90: {  	s2 =	sld [smem:$0x3FD0];
	_ =	sdelay $0x2  }
0x91: {  	s15 =	simm.s32 $0xA;
	s4 =	simm.s32 $0x10  }
0x92: {  	[smem:s4], [sflag:s15] =	dma.local [hbm:s2], $0x1  }
0x93: {  	_ =	swait.eq [sflag:s15], $0x1  }
0x94: {  	[sflag:s15] =	ssyncset.done $0x0  }
0x95: {  	[sflag:s15] =	ssyncadd.s32 $0xFFFFFFFF  }
0x96: {  	s16 =	sld [smem:$0x11];
	(tm) =	ssettm $0x1  }
0x97: {  	s17 =	sld [smem:$0x3FFB];
	_ =	sdelay $0x3  }
0x98: {  	_ =	strace s17  }
0x99: {  	s3 =	sld [smem:$0x3FFC];
	_ =	sdelay $0x3  }
0x9a: {  	_ =	strace s3  }
0x9b: {  	s3 =	sld [smem:$0x3FFD];
	_ =	sdelay $0x3  }
0x9c: {  	_ =	strace s3  }
0x9d: {  	_ =	strace $0x8FFFFFFF  }
0x9e: {  	s18 =	sld [smem:$0x3FDB];
	_ =	sdelay $0x1  }
0x9f: {  	s19 =	simm.s32 $_scs_section_size  }
0xa0: {  	s5 =	simm.s32 $_size__tile_overlayer_lowered;
	s6 =	simm.s32 $_tile_overlayer_lowered  }
0xa1: {  	s22 =	simm.s32 $0x1BFF;
	s21 =	sshll.u32 s6, $0x1;
	s3 =	sadd.s32 s19, s18  }
0xa2: {  	s7 =	simm.s32 $0x0;
	s20 =	sshll.u32 s5, $0x1;
	s5 =	sadd.s32 s21, s3  }
0xa3: {  	[timem:s7], [sflag:s22] =	dma.local [hbm:s5], s20  }
0xa4: {  	_ =	swait.ge [sflag:s22], s20  }
0xa5: {  	s4 =	ssub.s32 $0x0, s20;
	[sflag:s22] =	ssyncset.done $0x0  }
0xa6: {  	[sflag:s22] =	ssyncadd.s32 s4;
	_ =	sdelay $0x1  }
0xa7: {  	s23 =	simm.s32 $0x1B8B  }
0xa8: {  	_ =	swait.ge [sflag:s23], $0x1  }
0xa9: {  	[sflag:s23] =	ssyncset.done $0x0  }
0xaa: {  	s25 =	simm.s32 $0x1B8E;
	s24 =	sld [smem:$0x3FFE];
	[sflag:s23] =	ssyncadd.s32 $0xFFFFFFFF  }
0xab: {  	s26 =	simm.s32 $execute0_lowered;
	[smem:$0x3FD2] =	sst s25  }
0xac: {  	s5 =	sshll.u32 s26, $0x1;
	_ =	strace $0x80000046;
	[dreg:$0x1] =	wrdreg $0xFFFFFFFF  }
0xad: {  	s28 =	simm.s32 $_size_execute0_lowered;
	s3 =	sadd.s32 s3, s5;
	[dreg:$0x0] =	wrdreg $0x0  }
0xae: {  	s5 =	sshll.u32 s28, $0x1;
	[dreg:$0x2] =	wrdreg s3  }
0xaf: {  	[dreg:$0x3] =	wrdreg s5  }
0xb0: {  	[dreg:$0x4] =	wrdreg $0xC0  }
0xb1: {  	_ =	task [dreg:s7], $0x5FFFF  }
0xb2: {  	[dreg:$0x1] =	wrdreg $0xFFFFFFFF  }
0xb3: {  	[dreg:$0x0] =	wrdreg $0x60  }
0xb4: {  	[dreg:$0x2] =	wrdreg s24  }
0xb5: {  	[dreg:$0x3] =	wrdreg s16  }
0xb6: {  	[dreg:$0x4] =	wrdreg $0x4800  }
0xb7: {  	[dreg:$0x5] =	wrdreg $0x9  }
0xb8: {  	_ =	task.clear_ibuf [dreg:s7], $0x6FFFF;
	_ =	strace $0x90000046  }
0xb9: {  	s29 =	simm.s32 $0x9;
	_ =	strace $0x80000048  }
0xba: {  	_ =	swait.ge [sflag:s29], $0x1  }
0xbb: {  	[sflag:s29] =	ssyncadd.s32 $0xFFFFFFFF  }
0xbc: {  	_ =	strace $0x90000048  }
0xbd: {  	_ =	sfence  }
0xbe: {  	s30 =	sld [smem:$0x0];
	_ =	sdelay $0x2  }
0xbf: {  	s31 =	sshll.u32 s1, $0xD;
	s1 =	sshrl.u32 s1, $0x2  }
0xc0: {  	s3 =	sand.u32 $0x4000, s31;
	s1 =	sadd.s32 s1, s30  }
0xc1: {  	s0 =	sor.u32 s3, s0;
	s1 =	sshll.u32 s1, $0x11  }
0xc2: {  	s0 =	sor.u32 s1, s0  }
0xc3: {  	s0 =	sadd.s32 $0x8F2B, s0  }
0xc4: {  	[sflag:s0] =	ssyncadd.remote.s32 $0x1  }
0xc5: {  	_ =	sfence.sel $0xFFFF  }
0xc6: {  	[dreg:$0x0] =	wrdreg $0xFFFFFFFF;
	(pc) =	sbr.abs _section_cstart, $3  }
0xc7: {  	[dreg:$0x1] =	wrdreg $0xFFFFFFFF  }
0xc8: {  	_ =	task.clear_ibuf [dreg:s7], $0x2FFFF;
	_ =	strace $0x9FFFFFFF  }
0xc9: {  	(tm) =	ssettm $0x7FFFFFFF  }
tec
execute0_lowered:
.L_overlay_start_1:
0x0: {  	(tag) =	ssettag $0x1  }
0x1: {  	s4 =	rddreg [dreg:$0x0]  }
0x2: {  	s5 =	rddreg [dreg:$0x1];
	s1 =	srdreg.scid  }
0x3: {  	s0 =	stileid.u32;
	s2 =	rddreg [dreg:$0x2]  }
0x4: {  	s3 =	simm.s32 $0x0;
	s11 =	simm.s32 $0x100;
	s14 =	simm.s32 $0x20  }
0x5: {  	s15 =	simm.s32 $0x10;
	s16 =	simm.s32 $0x0;
	s7 =	smul.u32 $0x4E20, s0  }
0x6: {  	s6 =	sand.u32 $0x1, s1;
	s1 =	rddreg [dreg:$0x3];
	s28 =	smul.u32 $0x500, s0  }
0x7: {  	[smem:$0x7FF] =	sst s3;
	s9 =	smul.u32 $0xA00, s0;
	s12 =	sshll.u32 s0, $0x6  }
0x8: {  	s8 =	smul.u32 $0x2710, s6;
	_ =	strace $0x80000047;
	s10 =	sshll.u32 s6, $0x7  }
0x9: {  	s29 =	ssub.s32 $0x2, s6;
	s12 =	sor.u32 $0x1C01, s12;
	s30 =	sor.u32 s10, s28  }
0xa: {  	s31 =	sshrl.u32 s29, $0x1;
	s9 =	sshrl.u32 s9, $0x2;
	s10 =	simm.s32 $0xC8  }
0xb: {  	s7 =	sadd.s32 s8, s7;
	s6 =	sshrl.u32 s30, $0x3;
	s8 =	ssub.s32 s29, s31  }
0xc: {  	s7 =	sshrl.u32 s7, $0x3;
	s5 =	sadd.s32 s5, s6;
	s6 =	smax.u32 s8, $0x1  }
0xd: {  	s8 =	simm.s32 $0x200;
	s7 =	sadd.s32 s7, s4;
	s4 =	sadd.s32 s9, s2  }
0xe: {  	v0 =	vimm.f32 $1.000000000e+00;
	v1 =	vimm.f32 $0.0e+00;
	s9 =	simm.s32 $0x1;
	s7 =	sadd.s32 $0xBC00, s7;
	s13 =	sshrl.u32 s4, $0x3  }
.LBB2_1:
0xf: {  	[tilespmem:$0x100] =	vst v0  }
0x10: {  	[tilespmem:$0x110] =	vst v0  }
0x11: {  	[tilespmem:$0x120] =	vst v0  }
0x12: {  	[tilespmem:$0x130] =	vst v0  }
0x13: {  	[tilespmem:$0x140] =	vst v0  }
0x14: {  	[tilespmem:$0x150] =	vst v0  }
0x15: {  	[tilespmem:$0x160] =	vst v0  }
0x16: {  	[tilespmem:$0x170] =	vst v0  }
0x17: {  	[tilespmem:$0x180] =	vst v0  }
0x18: {  	[tilespmem:$0x190] =	vst v0  }
0x19: {  	[tilespmem:$0x1A0] =	vst v0  }
0x1a: {  	[tilespmem:$0x1B0] =	vst v0  }
0x1b: {  	[tilespmem:$0x200] =	vst v1  }
0x1c: {  	[tilespmem:$0x210] =	vst v1  }
0x1d: {  	[tilespmem:$0x220] =	vst v1  }
0x1e: {  	[tilespmem:$0x230] =	vst v1  }
0x1f: {  	[tilespmem:$0x240] =	vst v1  }
0x20: {  	[tilespmem:$0x250] =	vst v1  }
0x21: {  	[tilespmem:$0x260] =	vst v1  }
0x22: {  	[tilespmem:$0x270] =	vst v1  }
0x23: {  	[tilespmem:$0x280] =	vst v1  }
0x24: {  	[tilespmem:$0x290] =	vst v1  }
0x25: {  	[tilespmem:$0x2A0] =	vst v1  }
0x26: {  	[tilespmem:$0x2B0] =	vst v1  }
0x27: {  	[tilespmem:$0x2C0] =	vst v1  }
0x28: {  	[tilespmem:$0x2D0] =	vst v1  }
0x29: {  	[tilespmem:$0x2E0] =	vst v1  }
0x2a: {  	[tilespmem:$0x2F0] =	vst v1  }
0x2b: {  	[tilespmem:$0x300] =	vst v1  }
0x2c: {  	[tilespmem:$0x310] =	vst v1  }
0x2d: {  	[tilespmem:$0x320] =	vst v1  }
0x2e: {  	[tilespmem:$0x330] =	vst v1  }
0x2f: {  	[tilespmem:$0x340] =	vst v1  }
0x30: {  	[tilespmem:$0x350] =	vst v1  }
0x31: {  	[tilespmem:$0x360] =	vst v1  }
0x32: {  	[tilespmem:$0x370] =	vst v1  }
0x33: {  	[tilespmem:$0x380] =	vst v1  }
0x34: {  	[tilespmem:$0x390] =	vst v1  }
0x35: {  	[tilespmem:$0x3A0] =	vst v1  }
0x36: {  	[tilespmem:$0x3B0] =	vst v1  }
0x37: {  	[tilespmem:$0x3C0] =	vst v1  }
0x38: {  	[tilespmem:$0x3D0] =	vst v1  }
0x39: {  	[tilespmem:$0x3E0] =	vst v1  }
0x3a: {  	[tilespmem:$0x3F0] =	vst v1  }
0x3b: {  	[tilespmem:$0x400] =	vst v1  }
0x3c: {  	[tilespmem:$0x410] =	vst v1  }
0x3d: {  	[tilespmem:$0x420] =	vst v1  }
0x3e: {  	[tilespmem:$0x430] =	vst v1  }
0x3f: {  	[tilespmem:$0x440] =	vst v1  }
0x40: {  	[tilespmem:$0x450] =	vst v1  }
0x41: {  	[tilespmem:$0x460] =	vst v1  }
0x42: {  	[tilespmem:$0x470] =	vst v1  }
0x43: {  	[spmem:s4] =	stream.linear.scatter [tilespmem:s8], [sflag:$0x1], $0x280, $0x38;
	[tilespmem:$0x700] =	vst v63  }
0x44: {  	_ =	swait.ge [sflag:s9], $0x280  }
0x45: {  	[sflag:s9] =	ssyncset.done $0x0  }
0x46: {  	[sflag:s9] =	ssyncadd.s32 $0xFFFFFD80  }
0x47: {  	s17 =	sadd.s32 $0x0, s7;
	[bflag:$0x0] =	sbarrier.arrive $0xFFFF  }
0x48: {  	[tilespmem:s3], [sflag:$0x1] =	stream.linear.gather [hbm4b:s17+s3], $0xC8, $0x38;
	[tilespmem:$0x700] =	vst v63  }
0x49: {  	_ =	swait.ge [sflag:s9], $0xC8  }
0x4a: {  	[sflag:s9] =	ssyncset.done $0x0  }
0x4b: {  	[sflag:s9] =	ssyncadd.s32 $0xFFFFFF38  }
0x4c: {  	[spmem:s2] =	stream.indirect.scatter.add.f32 [tilespmem:s11], [sflag:$0x1], $0x1, s3, s10, $0xb8;
	[tilespmem:$0x700] =	vst v63  }
0x4d: {  	_ =	swait.ge [sflag:s9], $0xC8  }
0x4e: {  	s18 =	simm.s32 $0x32;
	s17 =	simm.s32 $0x19;
	[sflag:s9] =	ssyncset.done $0x0  }
.LBB2_2:
0x4f: {  	s19 =	sadd.s32 s17, s7  }
0x50: {  	[sflag:s9] =	ssyncadd.s32 $0xFFFFFF38;
	s17 =	smov.u32 s18;
	s20 =	sadd.s32 $0x19, s18  }
0x51: {  	[tilespmem:s3], [sflag:$0x1] =	stream.linear.gather [hbm4b:s19+s3], $0xC8, $0x38;
	[tilespmem:$0x700] =	vst v63  }
0x52: {  	p0 =	sne.s32 s18, $0x4C9;
	_ =	swait.ge [sflag:s9], $0xC8  }
.Ltmp0:
0x53: {  	[sflag:s9] =	ssyncset.done $0x0;
	(pc) =	sbr.rel @p0 .LBB2_2-.Ltmp0, $4  }
0x54: {  	[sflag:s9] =	ssyncadd.s32 $0xFFFFFF38  }
0x55: {  	[spmem:s2] =	stream.indirect.scatter.add.f32 [tilespmem:s11], [sflag:$0x1], $0x1, s3, s10, $0xb8;
	[tilespmem:$0x700] =	vst v63  }
0x56: {  	_ =	swait.ge [sflag:s9], $0xC8  }
0x57: {  	s18 =	smov.u32 s20;
	[sflag:s9] =	ssyncset.done $0x0  }
0x58: {  	s17 =	sadd.s32 s17, s7;
	[sflag:s9] =	ssyncadd.s32 $0xFFFFFF38  }
0x59: {  	[tilespmem:s3], [sflag:$0x1] =	stream.linear.gather [hbm4b:s17+s3], $0xC8, $0x38;
	[tilespmem:$0x700] =	vst v63  }
0x5a: {  	_ =	swait.ge [sflag:s9], $0xC8  }
0x5b: {  	[sflag:s9] =	ssyncset.done $0x0  }
0x5c: {  	[sflag:s9] =	ssyncadd.s32 $0xFFFFFF38  }
0x5d: {  	[spmem:s2] =	stream.indirect.scatter.add.f32 [tilespmem:s11], [sflag:$0x1], $0x1, s3, s10, $0xb8;
	[tilespmem:$0x700] =	vst v63  }
0x5e: {  	_ =	swait.ge [sflag:s9], $0xC8  }
0x5f: {  	s16 =	sadd.s32 $0x1, s16;
	[sflag:s9] =	ssyncset.done $0x0  }
0x60: {  	p0 =	sne.s32 s16, s6;
	[sflag:s9] =	ssyncadd.s32 $0xFFFFFF38  }
.Ltmp1:
0x61: {  	[bflag:$0x0] =	sbarrier.arrive $0xFFFF;
	(pc) =	sbr.rel @p0 .LBB2_1-.Ltmp1, $4  }
0x62: {  	[hbm:s5@s14], [sflag:s12] =	dma.strided [spmem:s13@s15], $0x50, s9, $0x10   }
0x63: {  	_ =	swait.ge [sflag:s9], $0x50  }
0x64: {  	[sflag:s9] =	ssyncset.done $0x0  }
0x65: {  	[sflag:s9] =	ssyncadd.s32 $0xFFFFFFB0  }
0x66: {  	_ =	sfence.sel $0x180000  }
0x67: {  	[bflag:$0x0] =	sbarrier.arrive $0xFFFF  }
0x68: {  	p0 =	sne.s32 s0, $0x0;
	_ =	strace $0x90000047  }
0x69: {  	s0 =	sadd.s32 @!p0 $0x100000, s1;
	[bflag:$0x2] =	sbarrier.arrive $0xFFFF  }
0x6a: {  	[sflag:s0] =	ssyncadd.tile.s32 @!p0 $0x1;
	_ =	shalt  }
.Lfunc_end2:
_tile_overlayer_lowered:
.L_overlay_start_2:
0x6b: {  	(tag) =	ssettag $0x2  }
0x6c: {  	s0 =	rddreg [dreg:$0x0];
	s2 =	stileid.u32  }
0x6d: {  	s1 =	rddreg [dreg:$0x1];
	p0 =	sne.s32 s2, $0x0  }
0x6e: {  	s3 =	rddreg [dreg:$0x2];
	[bflag:$0x3] =	sbarrier.arrive $0xFFFF;
	s2 =	simm.s32 @!p0 $0x1C01  }
0x6f: {  	[timem:s3], [sflag:s2] =	dma.local @!p0 [hbm:s0], s1  }
0x70: {  	s0 =	simm.s32 @!p0 $0x1  }
0x71: {  	_ =	swait.ge @!p0 [sflag:s0], s1  }
0x72: {  	s1 =	ssub.s32 @!p0 $0x0, s1;
	[sflag:s0] =	ssyncset.done @!p0 $0x0  }
0x73: {  	[sflag:s0] =	ssyncadd.s32 @!p0 s1  }
0x74: {  	[bflag:$0x3] =	sbarrier.arrive $0xFFFF  }
0x75: {  	_ =	shalt  }

</sc_bundles>
